<compile_context>
chip_gen: v7x
topology: tpu7x:2x2x1
jax: 0.10.2.dev20260603
libtpu: 0.0.44.dev20260713+nightly
codegen_flags: <defaults>
</compile_context>

<pallas_src>
import functools

import jax
import jax.numpy as jnp
from jax import lax
from jax.experimental import pallas as pl
from jax.experimental.pallas import tpu as pltpu
from jax.experimental.pallas import tpu_sc as plsc

ALPHA = 0.25
GAMMA = 2.0

_NC = 2
_NS = 16
_NW = _NC * _NS
_LANES = 16

_TOTAL_ROWS = 32768
_ROWS = 2048
_R_SC = 8192
_CH = 16
_SC_CH = 8192

_LOG1P_COEF = (
    0.014201727447196227, -0.06658471287014109, 0.149430702293233,
    -0.23514648274176575, 0.3311199413645243, -0.4998718500618637,
    0.9999987613784038,
)


def _focal_terms(x, t, use_poly_log1p):
    ax = jnp.abs(x)
    e = jnp.exp(-ax)
    if use_poly_log1p:
        r = jnp.full_like(e, _LOG1P_COEF[0])
        for c in _LOG1P_COEF[1:]:
            r = r * e + c
        sp = e * r
    else:
        sp = jnp.log1p(e)
    ce = jnp.maximum(x, 0.0) - x * t + sp
    numer = jnp.where(x >= 0.0, jnp.ones_like(e), e)
    p = numer / (1.0 + e)
    q = t + p * (1.0 - 2.0 * t)
    at = 0.75 - 0.5 * t
    val = ce * (q * q) * at
    val = jnp.where(ax + t != 0.0, val, 0.0)
    pos = jnp.where(t > 0.5, 1.0, 0.0)
    return val, pos



def _tc_body(pred_ref, true_ref, loss_ref, npos_ref):
    def step(i, carry):
        acc_l, acc_n = carry
        x = pred_ref[pl.ds(i * _CH, _CH), :]
        t = true_ref[pl.ds(i * _CH, _CH), :]
        val, pos = _focal_terms(x, t, use_poly_log1p=False)
        return acc_l + val, acc_n + pos

    z = jnp.zeros((_CH, 512), jnp.float32)
    acc_l, acc_n = lax.fori_loop(0, _ROWS // _CH, step, (z, z))
    part_loss = jnp.sum(acc_l)
    part_npos = jnp.sum(acc_n)

    @pl.when(pl.program_id(0) == 0)
    def _init():
        loss_ref[0] = 0.0
        npos_ref[0] = 0.0

    loss_ref[0] += part_loss
    npos_ref[0] += part_npos


def _tc_partial(pred2d, true2d, row_off, n_rows):
    grid = n_rows // _ROWS
    blk_off = row_off // _ROWS
    loss_sum, npos = pl.pallas_call(
        _tc_body,
        grid=(grid,),
        in_specs=[
            pl.BlockSpec((_ROWS, 512), lambda i: (i + blk_off, 0)),
            pl.BlockSpec((_ROWS, 512), lambda i: (i + blk_off, 0)),
        ],
        out_specs=[
            pl.BlockSpec(memory_space=pltpu.SMEM),
            pl.BlockSpec(memory_space=pltpu.SMEM),
        ],
        out_shape=[
            jax.ShapeDtypeStruct((1,), jnp.float32),
            jax.ShapeDtypeStruct((1,), jnp.float32),
        ],
    )(pred2d, true2d)
    return loss_sum[0], npos[0]



_SC_CHR = 16


def _make_sc_partial(n_rows):
    per_tile = n_rows // _NW
    n_chunks = per_tile // _SC_CHR
    assert per_tile % _SC_CHR == 0 and n_chunks % 2 == 0

    mesh = plsc.VectorSubcoreMesh(core_axis_name="c", subcore_axis_name="s")

    @functools.partial(
        pl.kernel,
        out_type=[
            jax.ShapeDtypeStruct((_NW, _LANES), jnp.float32),
            jax.ShapeDtypeStruct((_NW, _LANES), jnp.float32),
        ],
        mesh=mesh,
        compiler_params=pltpu.CompilerParams(use_tc_tiling_on_sc=True, skip_device_barrier=True),
        scratch_types=[
            pltpu.VMEM((_SC_CHR, 512), jnp.float32),
            pltpu.VMEM((_SC_CHR, 512), jnp.float32),
            pltpu.VMEM((_SC_CHR, 512), jnp.float32),
            pltpu.VMEM((_SC_CHR, 512), jnp.float32),
            pltpu.VMEM((_LANES,), jnp.float32),
            pltpu.VMEM((_LANES,), jnp.float32),
            pltpu.SemaphoreType.DMA,
            pltpu.SemaphoreType.DMA,
        ],
    )
    def sc_kernel(pred_hbm, true_hbm, loss_out, npos_out,
                  pb0, pb1, tb0, tb1, accl_v, accn_v, sem0, sem1):
        wid = lax.axis_index("s") * _NC + lax.axis_index("c")
        base = wid * per_tile
        pbufs = (pb0, pb1)
        tbufs = (tb0, tb1)
        sems = (sem0, sem1)

        for b in range(2):
            off = base + b * _SC_CHR
            pltpu.async_copy(
                pred_hbm.at[pl.ds(off, _SC_CHR), :], pbufs[b], sems[b])
            pltpu.async_copy(
                true_hbm.at[pl.ds(off, _SC_CHR), :], tbufs[b], sems[b])

        def compute_chunk(pb, tb, acc):
            def step(i, carry):
                acc_l0, acc_n0, acc_l1, acc_n1 = carry
                r = i >> 4
                col = (i & 15) * (2 * _LANES)
                x0 = pb[r, pl.ds(col, _LANES)]
                t0 = tb[r, pl.ds(col, _LANES)]
                x1 = pb[r, pl.ds(col + _LANES, _LANES)]
                t1 = tb[r, pl.ds(col + _LANES, _LANES)]
                val0, pos0 = _focal_terms(x0, t0, use_poly_log1p=True)
                val1, pos1 = _focal_terms(x1, t1, use_poly_log1p=True)
                return (acc_l0 + val0, acc_n0 + pos0,
                        acc_l1 + val1, acc_n1 + pos1)
            n_iters = _SC_CHR * (512 // (2 * _LANES))
            a = lax.fori_loop(0, n_iters, step, (acc[0], acc[1], acc[0] * 0.0, acc[1] * 0.0))
            return a[0] + a[2], a[1] + a[3]

        def outer(j, acc):
            for b in range(2):
                g = 2 * j + b
                off = base + g * _SC_CHR
                pltpu.make_async_copy(
                    pred_hbm.at[pl.ds(off, _SC_CHR), :], pbufs[b], sems[b]).wait()
                pltpu.make_async_copy(
                    true_hbm.at[pl.ds(off, _SC_CHR), :], tbufs[b], sems[b]).wait()
                acc = compute_chunk(pbufs[b], tbufs[b], acc)
                nxt = g + 2

                @pl.when(nxt < n_chunks)
                def _prefetch():
                    noff = base + nxt * _SC_CHR
                    pltpu.async_copy(
                        pred_hbm.at[pl.ds(noff, _SC_CHR), :], pbufs[b], sems[b])
                    pltpu.async_copy(
                        true_hbm.at[pl.ds(noff, _SC_CHR), :], tbufs[b], sems[b])
            return acc

        z = jnp.zeros((_LANES,), jnp.float32)
        acc_l, acc_n = lax.fori_loop(0, n_chunks // 2, outer, (z, z))
        accl_v[...] = acc_l
        accn_v[...] = acc_n
        pltpu.sync_copy(accl_v, loss_out.at[wid])
        pltpu.sync_copy(accn_v, npos_out.at[wid])

    return sc_kernel



def kernel(predicted_foreground_masks, peak_normalized_images):
    pred2d = predicted_foreground_masks.reshape(_TOTAL_ROWS, 512)
    true2d = peak_normalized_images.reshape(_TOTAL_ROWS, 512)

    loss_parts = []
    npos_parts = []

    if _R_SC > 0:
        sc = _make_sc_partial(_R_SC)
        sc_loss, sc_npos = sc(pred2d, true2d)
        loss_parts.append(jnp.sum(sc_loss))
        npos_parts.append(jnp.sum(sc_npos))

    if _R_SC < _TOTAL_ROWS:
        tc_loss, tc_npos = _tc_partial(pred2d, true2d, _R_SC,
                                       _TOTAL_ROWS - _R_SC)
        loss_parts.append(tc_loss)
        npos_parts.append(tc_npos)

    loss_sum = sum(loss_parts)
    npos = sum(npos_parts)
    return loss_sum / jnp.maximum(npos, 1.0)

# --- scband reference (transcript-rebuilt; emitter-appended) ---
"""Pipeline reference for scband-electron-salience-criterion-7533372637388 (READ-ONLY COPY).

The authoritative reference and input builder live on the scoring server;
editing this copy changes nothing except your own understanding.
"""

import jax, jax.numpy as jnp
import numpy as np

ALPHA = 0.25
GAMMA = 2.0


def sigmoid_focal_loss(inputs, targets, alpha, gamma):
    # matches torchvision.ops.sigmoid_focal_loss with reduction='none'
    p = jax.nn.sigmoid(inputs)
    # numerically stable BCE-with-logits
    ce = jnp.maximum(inputs, 0.0) - inputs * targets + jnp.log1p(jnp.exp(-jnp.abs(inputs)))
    p_t = p * targets + (1.0 - p) * (1.0 - targets)
    loss = ce * (1.0 - p_t) ** gamma
    alpha_t = alpha * targets + (1.0 - alpha) * (1.0 - targets)
    return alpha_t * loss


def setup_inputs(seed: int = 0) -> dict:
    key = jax.random.key(seed)
    k1, k2 = jax.random.split(key)
    predicted = jax.random.normal(k1, (64, 512, 512), dtype=jnp.float32)
    true = jax.random.uniform(k2, (64, 512, 512), dtype=jnp.float32)
    return {
        "predicted_foreground_masks": predicted,
        "peak_normalized_images": true,
    }


def reference(predicted_foreground_masks, peak_normalized_images):
    pred = predicted_foreground_masks
    true = peak_normalized_images
    # union_sparse_indices: the loss is evaluated only on pixels that are
    # nonzero in either the predicted sparse mask or the true sparse mask.
    union = (pred != 0.0) | (true != 0.0)
    union_f = union.astype(jnp.float32)
    num_pos = jnp.maximum(jnp.sum(true > 0.5), 1).astype(jnp.float32)
    loss = sigmoid_focal_loss(pred, true, ALPHA, GAMMA) * union_f
    return jnp.sum(loss) / num_pos

if __name__ == "__main__":
    import jax
    _d = setup_inputs()
    print(jax.jit(kernel)(*tuple(_d.values())))

</pallas_src>

<mosaic_0001>
#map = affine_map<(d0, d1) -> (0, 0)>
module attributes {stable_mosaic.version = 14 : i64} {
  func.func @sc_kernel(%arg0: i32, %arg1: i32, %arg2: memref<32768x512xf32, #tpu.memory_space<hbm>>, %arg3: memref<32768x512xf32, #tpu.memory_space<hbm>>, %arg4: memref<32x16xf32, #tpu.memory_space<hbm>>, %arg5: memref<32x16xf32, #tpu.memory_space<hbm>>, %arg6: memref<16x512xf32, #tpu.memory_space<vmem>>, %arg7: memref<16x512xf32, #tpu.memory_space<vmem>>, %arg8: memref<16x512xf32, #tpu.memory_space<vmem>>, %arg9: memref<16x512xf32, #tpu.memory_space<vmem>>, %arg10: memref<16xf32, #tpu.memory_space<vmem>>, %arg11: memref<16xf32, #tpu.memory_space<vmem>>, %arg12: memref<!tpu.dma_semaphore, #tpu.memory_space<semaphore_mem>>, %arg13: memref<!tpu.dma_semaphore, #tpu.memory_space<semaphore_mem>>) attributes {dimension_semantics = [#tpu.dimension_semantics<core_parallel>, #tpu.dimension_semantics<subcore_parallel>], iteration_bounds = array<i64: 2, 16>, scalar_prefetch = 0 : i64, scratch_operands = 8 : i64, tpu.core_type = #tpu.core_type<sc_vector_subcore>, window_params = [{transform_indices = #map}, {transform_indices = #map}, {transform_indices = #map}, {transform_indices = #map}]} {
    %mul3A = arith.constant 2 : i32
    %mul3A_0 = arith.muli %arg1, %mul3A : i32
    %add3A = arith.addi %mul3A_0, %arg0 : i32
    %mul3A_1 = arith.constant 256 : i32
    %mul3A_2 = arith.muli %add3A, %mul3A_1 : i32
    %add3A_3 = arith.constant 0 : i32
    %add3A_4 = arith.addi %mul3A_2, %add3A_3 : i32
    %dma_start3A = arith.constant 0 : i32
    %dma_start3A_5 = tpu.memref_slice %arg2[%add3A_4, %dma_start3A] : memref<32768x512xf32, #tpu.memory_space<hbm>> -> memref<16x512xf32, #tpu.memory_space<hbm>>
    %dma_start3A_6 = arith.constant 0 : i32
    %dma_start3A_7 = tpu.memref_slice %arg2[%add3A_4, %dma_start3A_6] : memref<32768x512xf32, #tpu.memory_space<hbm>> -> memref<16x512xf32, #tpu.memory_space<hbm>>
    tpu.enqueue_dma source(%dma_start3A_7 : memref<16x512xf32, #tpu.memory_space<hbm>>) target(%arg6 : memref<16x512xf32, #tpu.memory_space<vmem>>) target_semaphore(%arg12 : memref<!tpu.dma_semaphore, #tpu.memory_space<semaphore_mem>>)
    %dma_start3A_8 = arith.constant 0 : i32
    %dma_start3A_9 = tpu.memref_slice %arg3[%add3A_4, %dma_start3A_8] : memref<32768x512xf32, #tpu.memory_space<hbm>> -> memref<16x512xf32, #tpu.memory_space<hbm>>
    %dma_start3A_10 = arith.constant 0 : i32
    %dma_start3A_11 = tpu.memref_slice %arg3[%add3A_4, %dma_start3A_10] : memref<32768x512xf32, #tpu.memory_space<hbm>> -> memref<16x512xf32, #tpu.memory_space<hbm>>
    tpu.enqueue_dma source(%dma_start3A_11 : memref<16x512xf32, #tpu.memory_space<hbm>>) target(%arg8 : memref<16x512xf32, #tpu.memory_space<vmem>>) target_semaphore(%arg12 : memref<!tpu.dma_semaphore, #tpu.memory_space<semaphore_mem>>)
    %add3A_12 = arith.constant 16 : i32
    %add3A_13 = arith.addi %mul3A_2, %add3A_12 : i32
    %dma_start3A_14 = arith.constant 0 : i32
    %dma_start3A_15 = tpu.memref_slice %arg2[%add3A_13, %dma_start3A_14] : memref<32768x512xf32, #tpu.memory_space<hbm>> -> memref<16x512xf32, #tpu.memory_space<hbm>>
    %dma_start3A_16 = arith.constant 0 : i32
    %dma_start3A_17 = tpu.memref_slice %arg2[%add3A_13, %dma_start3A_16] : memref<32768x512xf32, #tpu.memory_space<hbm>> -> memref<16x512xf32, #tpu.memory_space<hbm>>
    tpu.enqueue_dma source(%dma_start3A_17 : memref<16x512xf32, #tpu.memory_space<hbm>>) target(%arg7 : memref<16x512xf32, #tpu.memory_space<vmem>>) target_semaphore(%arg13 : memref<!tpu.dma_semaphore, #tpu.memory_space<semaphore_mem>>)
    %dma_start3A_18 = arith.constant 0 : i32
    %dma_start3A_19 = tpu.memref_slice %arg3[%add3A_13, %dma_start3A_18] : memref<32768x512xf32, #tpu.memory_space<hbm>> -> memref<16x512xf32, #tpu.memory_space<hbm>>
    %dma_start3A_20 = arith.constant 0 : i32
    %dma_start3A_21 = tpu.memref_slice %arg3[%add3A_13, %dma_start3A_20] : memref<32768x512xf32, #tpu.memory_space<hbm>> -> memref<16x512xf32, #tpu.memory_space<hbm>>
    tpu.enqueue_dma source(%dma_start3A_21 : memref<16x512xf32, #tpu.memory_space<hbm>>) target(%arg9 : memref<16x512xf32, #tpu.memory_space<vmem>>) target_semaphore(%arg13 : memref<!tpu.dma_semaphore, #tpu.memory_space<semaphore_mem>>)
    %broadcast_in_dim3A = arith.constant 0.000000e+00 : f32
    %broadcast_in_dim3A_22 = vector.broadcast %broadcast_in_dim3A : f32 to vector<16xf32>
    %scan3A = arith.constant 0 : i32
    %scan3A_23 = arith.constant 8 : i32
    %scan3A_24 = arith.addi %scan3A, %scan3A_23 : i32
    %scan3A_25 = arith.constant 1 : i32
    %scan3A_26:2 = scf.for %scan3A_35 = %scan3A to %scan3A_24 step %scan3A_25 iter_args(%scan3A_36 = %broadcast_in_dim3A_22, %scan3A_37 = %broadcast_in_dim3A_22) -> (vector<16xf32>, vector<16xf32>)  : i32 {
      %mul3A_38 = arith.constant 2 : i32
      %mul3A_39 = arith.muli %mul3A_38, %scan3A_35 : i32
      %add3A_40 = arith.constant 0 : i32
      %add3A_41 = arith.addi %mul3A_39, %add3A_40 : i32
      %mul3A_42 = arith.constant 16 : i32
      %mul3A_43 = arith.muli %add3A_41, %mul3A_42 : i32
      %add3A_44 = arith.addi %mul3A_2, %mul3A_43 : i32
      %dma_wait3A = arith.constant 0 : i32
      %dma_wait3A_45 = tpu.memref_slice %arg2[%add3A_44, %dma_wait3A] : memref<32768x512xf32, #tpu.memory_space<hbm>> -> memref<16x512xf32, #tpu.memory_space<hbm>>
      %dma_wait3A_46 = arith.constant 0 : i32
      %dma_wait3A_47 = tpu.memref_slice %arg2[%add3A_44, %dma_wait3A_46] : memref<32768x512xf32, #tpu.memory_space<hbm>> -> memref<16x512xf32, #tpu.memory_space<hbm>>
      tpu.wait_dma2 semaphore(%arg12 : memref<!tpu.dma_semaphore, #tpu.memory_space<semaphore_mem>>) src(%dma_wait3A_47 : memref<16x512xf32, #tpu.memory_space<hbm>>) dst(%arg6 : memref<16x512xf32, #tpu.memory_space<vmem>>)
      %dma_wait3A_48 = arith.constant 0 : i32
      %dma_wait3A_49 = tpu.memref_slice %arg3[%add3A_44, %dma_wait3A_48] : memref<32768x512xf32, #tpu.memory_space<hbm>> -> memref<16x512xf32, #tpu.memory_space<hbm>>
      %dma_wait3A_50 = arith.constant 0 : i32
      %dma_wait3A_51 = tpu.memref_slice %arg3[%add3A_44, %dma_wait3A_50] : memref<32768x512xf32, #tpu.memory_space<hbm>> -> memref<16x512xf32, #tpu.memory_space<hbm>>
      tpu.wait_dma2 semaphore(%arg12 : memref<!tpu.dma_semaphore, #tpu.memory_space<semaphore_mem>>) src(%dma_wait3A_51 : memref<16x512xf32, #tpu.memory_space<hbm>>) dst(%arg8 : memref<16x512xf32, #tpu.memory_space<vmem>>)
      %mul3A_52 = arith.constant 0.000000e+00 : f32
      %mul3A_53 = vector.broadcast %mul3A_52 : f32 to vector<16xf32>
      %mul3A_54 = arith.mulf %scan3A_36, %mul3A_53 : vector<16xf32>
      %mul3A_55 = arith.constant 0.000000e+00 : f32
      %mul3A_56 = vector.broadcast %mul3A_55 : f32 to vector<16xf32>
      %mul3A_57 = arith.mulf %scan3A_37, %mul3A_56 : vector<16xf32>
      %scan3A_58 = arith.constant 0 : i32
      %scan3A_59 = arith.constant 256 : i32
      %scan3A_60 = arith.addi %scan3A_58, %scan3A_59 : i32
      %scan3A_61 = arith.constant 1 : i32
      %scan3A_62:4 = scf.for %scan3A_106 = %scan3A_58 to %scan3A_60 step %scan3A_61 iter_args(%scan3A_107 = %scan3A_36, %scan3A_108 = %scan3A_37, %scan3A_109 = %mul3A_54, %scan3A_110 = %mul3A_57) -> (vector<16xf32>, vector<16xf32>, vector<16xf32>, vector<16xf32>)  : i32 {
        %shift_right_arithmetic3A = arith.constant 4 : i32
        %shift_right_arithmetic3A_111 = arith.shrsi %scan3A_106, %shift_right_arithmetic3A : i32
        %and3A = arith.constant 15 : i32
        %and3A_112 = arith.andi %scan3A_106, %and3A : i32
        %mul3A_113 = arith.constant 32 : i32
        %mul3A_114 = arith.muli %and3A_112, %mul3A_113 : i32
        %get3A = arith.index_cast %shift_right_arithmetic3A_111 : i32 to index
        %get3A_115 = arith.index_cast %mul3A_114 : i32 to index
        %get3A_116 = tpu.vector_load %arg6[%get3A, %get3A_115] {strides = array<i32>} : memref<16x512xf32, #tpu.memory_space<vmem>>, vector<1x16xf32>,
        %get3A_117 = vector.shape_cast %get3A_116 : vector<1x16xf32> to vector<16xf32>
        %get3A_118 = arith.index_cast %shift_right_arithmetic3A_111 : i32 to index
        %get3A_119 = arith.index_cast %mul3A_114 : i32 to index
        %get3A_120 = tpu.vector_load %arg8[%get3A_118, %get3A_119] {strides = array<i32>} : memref<16x512xf32, #tpu.memory_space<vmem>>, vector<1x16xf32>,
        %get3A_121 = vector.shape_cast %get3A_120 : vector<1x16xf32> to vector<16xf32>
        %add3A_122 = arith.constant 16 : i32
        %add3A_123 = arith.addi %mul3A_114, %add3A_122 : i32
        %get3A_124 = arith.index_cast %shift_right_arithmetic3A_111 : i32 to index
        %get3A_125 = arith.index_cast %add3A_123 : i32 to index
        %get3A_126 = tpu.vector_load %arg6[%get3A_124, %get3A_125] {strides = array<i32>} : memref<16x512xf32, #tpu.memory_space<vmem>>, vector<1x16xf32>,
        %get3A_127 = vector.shape_cast %get3A_126 : vector<1x16xf32> to vector<16xf32>
        %add3A_128 = arith.constant 16 : i32
        %add3A_129 = arith.addi %mul3A_114, %add3A_128 : i32
        %get3A_130 = arith.index_cast %shift_right_arithmetic3A_111 : i32 to index
        %get3A_131 = arith.index_cast %add3A_129 : i32 to index
        %get3A_132 = tpu.vector_load %arg8[%get3A_130, %get3A_131] {strides = array<i32>} : memref<16x512xf32, #tpu.memory_space<vmem>>, vector<1x16xf32>,
        %get3A_133 = vector.shape_cast %get3A_132 : vector<1x16xf32> to vector<16xf32>
        %abs3A = math.absf %get3A_117 : vector<16xf32>
        %neg3A = arith.constant 0.000000e+00 : f32
        %neg3A_134 = vector.broadcast %neg3A : f32 to vector<16xf32>
        %neg3A_135 = arith.subf %neg3A_134, %abs3A : vector<16xf32>
        %exp3A = math.exp %neg3A_135 : vector<16xf32>
        %broadcast_in_dim3A_136 = arith.constant 0.0142017277 : f32
        %broadcast_in_dim3A_137 = vector.broadcast %broadcast_in_dim3A_136 : f32 to vector<16xf32>
        %mul3A_138 = arith.mulf %broadcast_in_dim3A_137, %exp3A : vector<16xf32>
        %add3A_139 = arith.constant -0.0665847138 : f32
        %add3A_140 = vector.broadcast %add3A_139 : f32 to vector<16xf32>
        %add3A_141 = arith.addf %mul3A_138, %add3A_140 : vector<16xf32>
        %mul3A_142 = arith.mulf %add3A_141, %exp3A : vector<16xf32>
        %add3A_143 = arith.constant 0.149430707 : f32
        %add3A_144 = vector.broadcast %add3A_143 : f32 to vector<16xf32>
        %add3A_145 = arith.addf %mul3A_142, %add3A_144 : vector<16xf32>
        %mul3A_146 = arith.mulf %add3A_145, %exp3A : vector<16xf32>
        %add3A_147 = arith.constant -0.235146478 : f32
        %add3A_148 = vector.broadcast %add3A_147 : f32 to vector<16xf32>
        %add3A_149 = arith.addf %mul3A_146, %add3A_148 : vector<16xf32>
        %mul3A_150 = arith.mulf %add3A_149, %exp3A : vector<16xf32>
        %add3A_151 = arith.constant 0.331119955 : f32
        %add3A_152 = vector.broadcast %add3A_151 : f32 to vector<16xf32>
        %add3A_153 = arith.addf %mul3A_150, %add3A_152 : vector<16xf32>
        %mul3A_154 = arith.mulf %add3A_153, %exp3A : vector<16xf32>
        %add3A_155 = arith.constant -0.49987185 : f32
        %add3A_156 = vector.broadcast %add3A_155 : f32 to vector<16xf32>
        %add3A_157 = arith.addf %mul3A_154, %add3A_156 : vector<16xf32>
        %mul3A_158 = arith.mulf %add3A_157, %exp3A : vector<16xf32>
        %add3A_159 = arith.constant 0.999998748 : f32
        %add3A_160 = vector.broadcast %add3A_159 : f32 to vector<16xf32>
        %add3A_161 = arith.addf %mul3A_158, %add3A_160 : vector<16xf32>
        %mul3A_162 = arith.mulf %exp3A, %add3A_161 : vector<16xf32>
        %max3A = arith.constant 0.000000e+00 : f32
        %max3A_163 = vector.broadcast %max3A : f32 to vector<16xf32>
        %max3A_164 = arith.maximumf %get3A_117, %max3A_163 : vector<16xf32>
        %mul3A_165 = arith.mulf %get3A_117, %get3A_121 : vector<16xf32>
        %sub3A = arith.subf %max3A_164, %mul3A_165 : vector<16xf32>
        %add3A_166 = arith.addf %sub3A, %mul3A_162 : vector<16xf32>
        %ge3A = arith.constant 0.000000e+00 : f32
        %ge3A_167 = vector.broadcast %ge3A : f32 to vector<16xf32>
        %ge3A_168 = arith.cmpf oge, %get3A_117, %ge3A_167 : vector<16xf32>
        %broadcast_in_dim3A_169 = arith.constant 1.000000e+00 : f32
        %broadcast_in_dim3A_170 = vector.broadcast %broadcast_in_dim3A_169 : f32 to vector<16xf32>
        %select_n3A = arith.select %ge3A_168, %broadcast_in_dim3A_170, %exp3A : vector<16xi1>, vector<16xf32>
        %add3A_171 = arith.constant 1.000000e+00 : f32
        %add3A_172 = vector.broadcast %add3A_171 : f32 to vector<16xf32>
        %add3A_173 = arith.addf %add3A_172, %exp3A : vector<16xf32>
        %div3A = arith.divf %select_n3A, %add3A_173 : vector<16xf32>
        %mul3A_174 = arith.constant 2.000000e+00 : f32
        %mul3A_175 = vector.broadcast %mul3A_174 : f32 to vector<16xf32>
        %mul3A_176 = arith.mulf %mul3A_175, %get3A_121 : vector<16xf32>
        %sub3A_177 = arith.constant 1.000000e+00 : f32
        %sub3A_178 = vector.broadcast %sub3A_177 : f32 to vector<16xf32>
        %sub3A_179 = arith.subf %sub3A_178, %mul3A_176 : vector<16xf32>
        %mul3A_180 = arith.mulf %div3A, %sub3A_179 : vector<16xf32>
        %add3A_181 = arith.addf %get3A_121, %mul3A_180 : vector<16xf32>
        %mul3A_182 = arith.constant 5.000000e-01 : f32
        %mul3A_183 = vector.broadcast %mul3A_182 : f32 to vector<16xf32>
        %mul3A_184 = arith.mulf %mul3A_183, %get3A_121 : vector<16xf32>
        %sub3A_185 = arith.constant 7.500000e-01 : f32
        %sub3A_186 = vector.broadcast %sub3A_185 : f32 to vector<16xf32>
        %sub3A_187 = arith.subf %sub3A_186, %mul3A_184 : vector<16xf32>
        %mul3A_188 = arith.mulf %add3A_181, %add3A_181 : vector<16xf32>
        %mul3A_189 = arith.mulf %add3A_166, %mul3A_188 : vector<16xf32>
        %mul3A_190 = arith.mulf %mul3A_189, %sub3A_187 : vector<16xf32>
        %add3A_191 = arith.addf %abs3A, %get3A_121 : vector<16xf32>
        %ne3A = arith.constant 0.000000e+00 : f32
        %ne3A_192 = vector.broadcast %ne3A : f32 to vector<16xf32>
        %ne3A_193 = arith.cmpf one, %add3A_191, %ne3A_192 : vector<16xf32>
        %jit3A = arith.constant 0.000000e+00 : f32
        %broadcast_in_dim3A_194 = vector.broadcast %jit3A : f32 to vector<16xf32>
        %select_n3A_195 = arith.select %ne3A_193, %mul3A_190, %broadcast_in_dim3A_194 : vector<16xi1>, vector<16xf32>
        %gt3A = arith.constant 5.000000e-01 : f32
        %gt3A_196 = vector.broadcast %gt3A : f32 to vector<16xf32>
        %gt3A_197 = arith.cmpf ogt, %get3A_121, %gt3A_196 : vector<16xf32>
        %jit3A_198 = arith.constant 1.000000e+00 : f32
        %jit3A_199 = arith.constant 0.000000e+00 : f32
        %broadcast_in_dim3A_200 = vector.broadcast %jit3A_198 : f32 to vector<16xf32>
        %broadcast_in_dim3A_201 = vector.broadcast %jit3A_199 : f32 to vector<16xf32>
        %select_n3A_202 = arith.select %gt3A_197, %broadcast_in_dim3A_200, %broadcast_in_dim3A_201 : vector<16xi1>, vector<16xf32>
        %abs3A_203 = math.absf %get3A_127 : vector<16xf32>
        %neg3A_204 = arith.constant 0.000000e+00 : f32
        %neg3A_205 = vector.broadcast %neg3A_204 : f32 to vector<16xf32>
        %neg3A_206 = arith.subf %neg3A_205, %abs3A_203 : vector<16xf32>
        %exp3A_207 = math.exp %neg3A_206 : vector<16xf32>
        %broadcast_in_dim3A_208 = arith.constant 0.0142017277 : f32
        %broadcast_in_dim3A_209 = vector.broadcast %broadcast_in_dim3A_208 : f32 to vector<16xf32>
        %mul3A_210 = arith.mulf %broadcast_in_dim3A_209, %exp3A_207 : vector<16xf32>
        %add3A_211 = arith.constant -0.0665847138 : f32
        %add3A_212 = vector.broadcast %add3A_211 : f32 to vector<16xf32>
        %add3A_213 = arith.addf %mul3A_210, %add3A_212 : vector<16xf32>
        %mul3A_214 = arith.mulf %add3A_213, %exp3A_207 : vector<16xf32>
        %add3A_215 = arith.constant 0.149430707 : f32
        %add3A_216 = vector.broadcast %add3A_215 : f32 to vector<16xf32>
        %add3A_217 = arith.addf %mul3A_214, %add3A_216 : vector<16xf32>
        %mul3A_218 = arith.mulf %add3A_217, %exp3A_207 : vector<16xf32>
        %add3A_219 = arith.constant -0.235146478 : f32
        %add3A_220 = vector.broadcast %add3A_219 : f32 to vector<16xf32>
        %add3A_221 = arith.addf %mul3A_218, %add3A_220 : vector<16xf32>
        %mul3A_222 = arith.mulf %add3A_221, %exp3A_207 : vector<16xf32>
        %add3A_223 = arith.constant 0.331119955 : f32
        %add3A_224 = vector.broadcast %add3A_223 : f32 to vector<16xf32>
        %add3A_225 = arith.addf %mul3A_222, %add3A_224 : vector<16xf32>
        %mul3A_226 = arith.mulf %add3A_225, %exp3A_207 : vector<16xf32>
        %add3A_227 = arith.constant -0.49987185 : f32
        %add3A_228 = vector.broadcast %add3A_227 : f32 to vector<16xf32>
        %add3A_229 = arith.addf %mul3A_226, %add3A_228 : vector<16xf32>
        %mul3A_230 = arith.mulf %add3A_229, %exp3A_207 : vector<16xf32>
        %add3A_231 = arith.constant 0.999998748 : f32
        %add3A_232 = vector.broadcast %add3A_231 : f32 to vector<16xf32>
        %add3A_233 = arith.addf %mul3A_230, %add3A_232 : vector<16xf32>
        %mul3A_234 = arith.mulf %exp3A_207, %add3A_233 : vector<16xf32>
        %max3A_235 = arith.constant 0.000000e+00 : f32
        %max3A_236 = vector.broadcast %max3A_235 : f32 to vector<16xf32>
        %max3A_237 = arith.maximumf %get3A_127, %max3A_236 : vector<16xf32>
        %mul3A_238 = arith.mulf %get3A_127, %get3A_133 : vector<16xf32>
        %sub3A_239 = arith.subf %max3A_237, %mul3A_238 : vector<16xf32>
        %add3A_240 = arith.addf %sub3A_239, %mul3A_234 : vector<16xf32>
        %ge3A_241 = arith.constant 0.000000e+00 : f32
        %ge3A_242 = vector.broadcast %ge3A_241 : f32 to vector<16xf32>
        %ge3A_243 = arith.cmpf oge, %get3A_127, %ge3A_242 : vector<16xf32>
        %broadcast_in_dim3A_244 = arith.constant 1.000000e+00 : f32
        %broadcast_in_dim3A_245 = vector.broadcast %broadcast_in_dim3A_244 : f32 to vector<16xf32>
        %select_n3A_246 = arith.select %ge3A_243, %broadcast_in_dim3A_245, %exp3A_207 : vector<16xi1>, vector<16xf32>
        %add3A_247 = arith.constant 1.000000e+00 : f32
        %add3A_248 = vector.broadcast %add3A_247 : f32 to vector<16xf32>
        %add3A_249 = arith.addf %add3A_248, %exp3A_207 : vector<16xf32>
        %div3A_250 = arith.divf %select_n3A_246, %add3A_249 : vector<16xf32>
        %mul3A_251 = arith.constant 2.000000e+00 : f32
        %mul3A_252 = vector.broadcast %mul3A_251 : f32 to vector<16xf32>
        %mul3A_253 = arith.mulf %mul3A_252, %get3A_133 : vector<16xf32>
        %sub3A_254 = arith.constant 1.000000e+00 : f32
        %sub3A_255 = vector.broadcast %sub3A_254 : f32 to vector<16xf32>
        %sub3A_256 = arith.subf %sub3A_255, %mul3A_253 : vector<16xf32>
        %mul3A_257 = arith.mulf %div3A_250, %sub3A_256 : vector<16xf32>
        %add3A_258 = arith.addf %get3A_133, %mul3A_257 : vector<16xf32>
        %mul3A_259 = arith.constant 5.000000e-01 : f32
        %mul3A_260 = vector.broadcast %mul3A_259 : f32 to vector<16xf32>
        %mul3A_261 = arith.mulf %mul3A_260, %get3A_133 : vector<16xf32>
        %sub3A_262 = arith.constant 7.500000e-01 : f32
        %sub3A_263 = vector.broadcast %sub3A_262 : f32 to vector<16xf32>
        %sub3A_264 = arith.subf %sub3A_263, %mul3A_261 : vector<16xf32>
        %mul3A_265 = arith.mulf %add3A_258, %add3A_258 : vector<16xf32>
        %mul3A_266 = arith.mulf %add3A_240, %mul3A_265 : vector<16xf32>
        %mul3A_267 = arith.mulf %mul3A_266, %sub3A_264 : vector<16xf32>
        %add3A_268 = arith.addf %abs3A_203, %get3A_133 : vector<16xf32>
        %ne3A_269 = arith.constant 0.000000e+00 : f32
        %ne3A_270 = vector.broadcast %ne3A_269 : f32 to vector<16xf32>
        %ne3A_271 = arith.cmpf one, %add3A_268, %ne3A_270 : vector<16xf32>
        %jit3A_272 = arith.constant 0.000000e+00 : f32
        %broadcast_in_dim3A_273 = vector.broadcast %jit3A_272 : f32 to vector<16xf32>
        %select_n3A_274 = arith.select %ne3A_271, %mul3A_267, %broadcast_in_dim3A_273 : vector<16xi1>, vector<16xf32>
        %gt3A_275 = arith.constant 5.000000e-01 : f32
        %gt3A_276 = vector.broadcast %gt3A_275 : f32 to vector<16xf32>
        %gt3A_277 = arith.cmpf ogt, %get3A_133, %gt3A_276 : vector<16xf32>
        %jit3A_278 = arith.constant 1.000000e+00 : f32
        %jit3A_279 = arith.constant 0.000000e+00 : f32
        %broadcast_in_dim3A_280 = vector.broadcast %jit3A_278 : f32 to vector<16xf32>
        %broadcast_in_dim3A_281 = vector.broadcast %jit3A_279 : f32 to vector<16xf32>
        %select_n3A_282 = arith.select %gt3A_277, %broadcast_in_dim3A_280, %broadcast_in_dim3A_281 : vector<16xi1>, vector<16xf32>
        %add3A_283 = arith.addf %scan3A_107, %select_n3A_195 : vector<16xf32>
        %add3A_284 = arith.addf %scan3A_108, %select_n3A_202 : vector<16xf32>
        %add3A_285 = arith.addf %scan3A_109, %select_n3A_274 : vector<16xf32>
        %add3A_286 = arith.addf %scan3A_110, %select_n3A_282 : vector<16xf32>
        scf.yield %add3A_283, %add3A_284, %add3A_285, %add3A_286 : vector<16xf32>, vector<16xf32>, vector<16xf32>, vector<16xf32>
      }
      %scan3A_63 = arith.constant 256 : i32
      %add3A_64 = arith.addf %scan3A_62#0, %scan3A_62#2 : vector<16xf32>
      %add3A_65 = arith.addf %scan3A_62#1, %scan3A_62#3 : vector<16xf32>
      %add3A_66 = arith.constant 2 : i32
      %add3A_67 = arith.addi %add3A_41, %add3A_66 : i32
      %lt3A = arith.constant 16 : i32
      %lt3A_68 = arith.cmpi slt, %add3A_67, %lt3A : i32
      %convert_element_type3A = arith.extui %lt3A_68 : i1 to i32
      %cond3A = arith.constant 0 : i32
      %cond3A_69 = arith.cmpi ne, %convert_element_type3A, %cond3A : i32
      scf.if %cond3A_69 {
        %mul3A_106 = arith.constant 16 : i32
        %mul3A_107 = arith.muli %add3A_67, %mul3A_106 : i32
        %add3A_108 = arith.addi %mul3A_2, %mul3A_107 : i32
        %dma_start3A_109 = arith.constant 0 : i32
        %dma_start3A_110 = tpu.memref_slice %arg2[%add3A_108, %dma_start3A_109] : memref<32768x512xf32, #tpu.memory_space<hbm>> -> memref<16x512xf32, #tpu.memory_space<hbm>>
        %dma_start3A_111 = arith.constant 0 : i32
        %dma_start3A_112 = tpu.memref_slice %arg2[%add3A_108, %dma_start3A_111] : memref<32768x512xf32, #tpu.memory_space<hbm>> -> memref<16x512xf32, #tpu.memory_space<hbm>>
        tpu.enqueue_dma source(%dma_start3A_112 : memref<16x512xf32, #tpu.memory_space<hbm>>) target(%arg6 : memref<16x512xf32, #tpu.memory_space<vmem>>) target_semaphore(%arg12 : memref<!tpu.dma_semaphore, #tpu.memory_space<semaphore_mem>>)
        %dma_start3A_113 = arith.constant 0 : i32
        %dma_start3A_114 = tpu.memref_slice %arg3[%add3A_108, %dma_start3A_113] : memref<32768x512xf32, #tpu.memory_space<hbm>> -> memref<16x512xf32, #tpu.memory_space<hbm>>
        %dma_start3A_115 = arith.constant 0 : i32
        %dma_start3A_116 = tpu.memref_slice %arg3[%add3A_108, %dma_start3A_115] : memref<32768x512xf32, #tpu.memory_space<hbm>> -> memref<16x512xf32, #tpu.memory_space<hbm>>
        tpu.enqueue_dma source(%dma_start3A_116 : memref<16x512xf32, #tpu.memory_space<hbm>>) target(%arg8 : memref<16x512xf32, #tpu.memory_space<vmem>>) target_semaphore(%arg12 : memref<!tpu.dma_semaphore, #tpu.memory_space<semaphore_mem>>)
      } else {
      }
      %mul3A_70 = arith.constant 2 : i32
      %mul3A_71 = arith.muli %mul3A_70, %scan3A_35 : i32
      %add3A_72 = arith.constant 1 : i32
      %add3A_73 = arith.addi %mul3A_71, %add3A_72 : i32
      %mul3A_74 = arith.constant 16 : i32
      %mul3A_75 = arith.muli %add3A_73, %mul3A_74 : i32
      %add3A_76 = arith.addi %mul3A_2, %mul3A_75 : i32
      %dma_wait3A_77 = arith.constant 0 : i32
      %dma_wait3A_78 = tpu.memref_slice %arg2[%add3A_76, %dma_wait3A_77] : memref<32768x512xf32, #tpu.memory_space<hbm>> -> memref<16x512xf32, #tpu.memory_space<hbm>>
      %dma_wait3A_79 = arith.constant 0 : i32
      %dma_wait3A_80 = tpu.memref_slice %arg2[%add3A_76, %dma_wait3A_79] : memref<32768x512xf32, #tpu.memory_space<hbm>> -> memref<16x512xf32, #tpu.memory_space<hbm>>
      tpu.wait_dma2 semaphore(%arg13 : memref<!tpu.dma_semaphore, #tpu.memory_space<semaphore_mem>>) src(%dma_wait3A_80 : memref<16x512xf32, #tpu.memory_space<hbm>>) dst(%arg7 : memref<16x512xf32, #tpu.memory_space<vmem>>)
      %dma_wait3A_81 = arith.constant 0 : i32
      %dma_wait3A_82 = tpu.memref_slice %arg3[%add3A_76, %dma_wait3A_81] : memref<32768x512xf32, #tpu.memory_space<hbm>> -> memref<16x512xf32, #tpu.memory_space<hbm>>
      %dma_wait3A_83 = arith.constant 0 : i32
      %dma_wait3A_84 = tpu.memref_slice %arg3[%add3A_76, %dma_wait3A_83] : memref<32768x512xf32, #tpu.memory_space<hbm>> -> memref<16x512xf32, #tpu.memory_space<hbm>>
      tpu.wait_dma2 semaphore(%arg13 : memref<!tpu.dma_semaphore, #tpu.memory_space<semaphore_mem>>) src(%dma_wait3A_84 : memref<16x512xf32, #tpu.memory_space<hbm>>) dst(%arg9 : memref<16x512xf32, #tpu.memory_space<vmem>>)
      %mul3A_85 = arith.constant 0.000000e+00 : f32
      %mul3A_86 = vector.broadcast %mul3A_85 : f32 to vector<16xf32>
      %mul3A_87 = arith.mulf %add3A_64, %mul3A_86 : vector<16xf32>
      %mul3A_88 = arith.constant 0.000000e+00 : f32
      %mul3A_89 = vector.broadcast %mul3A_88 : f32 to vector<16xf32>
      %mul3A_90 = arith.mulf %add3A_65, %mul3A_89 : vector<16xf32>
      %scan3A_91 = arith.constant 0 : i32
      %scan3A_92 = arith.constant 256 : i32
      %scan3A_93 = arith.addi %scan3A_91, %scan3A_92 : i32
      %scan3A_94 = arith.constant 1 : i32
      %scan3A_95:4 = scf.for %scan3A_106 = %scan3A_91 to %scan3A_93 step %scan3A_94 iter_args(%scan3A_107 = %add3A_64, %scan3A_108 = %add3A_65, %scan3A_109 = %mul3A_87, %scan3A_110 = %mul3A_90) -> (vector<16xf32>, vector<16xf32>, vector<16xf32>, vector<16xf32>)  : i32 {
        %shift_right_arithmetic3A = arith.constant 4 : i32
        %shift_right_arithmetic3A_111 = arith.shrsi %scan3A_106, %shift_right_arithmetic3A : i32
        %and3A = arith.constant 15 : i32
        %and3A_112 = arith.andi %scan3A_106, %and3A : i32
        %mul3A_113 = arith.constant 32 : i32
        %mul3A_114 = arith.muli %and3A_112, %mul3A_113 : i32
        %get3A = arith.index_cast %shift_right_arithmetic3A_111 : i32 to index
        %get3A_115 = arith.index_cast %mul3A_114 : i32 to index
        %get3A_116 = tpu.vector_load %arg7[%get3A, %get3A_115] {strides = array<i32>} : memref<16x512xf32, #tpu.memory_space<vmem>>, vector<1x16xf32>,
        %get3A_117 = vector.shape_cast %get3A_116 : vector<1x16xf32> to vector<16xf32>
        %get3A_118 = arith.index_cast %shift_right_arithmetic3A_111 : i32 to index
        %get3A_119 = arith.index_cast %mul3A_114 : i32 to index
        %get3A_120 = tpu.vector_load %arg9[%get3A_118, %get3A_119] {strides = array<i32>} : memref<16x512xf32, #tpu.memory_space<vmem>>, vector<1x16xf32>,
        %get3A_121 = vector.shape_cast %get3A_120 : vector<1x16xf32> to vector<16xf32>
        %add3A_122 = arith.constant 16 : i32
        %add3A_123 = arith.addi %mul3A_114, %add3A_122 : i32
        %get3A_124 = arith.index_cast %shift_right_arithmetic3A_111 : i32 to index
        %get3A_125 = arith.index_cast %add3A_123 : i32 to index
        %get3A_126 = tpu.vector_load %arg7[%get3A_124, %get3A_125] {strides = array<i32>} : memref<16x512xf32, #tpu.memory_space<vmem>>, vector<1x16xf32>,
        %get3A_127 = vector.shape_cast %get3A_126 : vector<1x16xf32> to vector<16xf32>
        %add3A_128 = arith.constant 16 : i32
        %add3A_129 = arith.addi %mul3A_114, %add3A_128 : i32
        %get3A_130 = arith.index_cast %shift_right_arithmetic3A_111 : i32 to index
        %get3A_131 = arith.index_cast %add3A_129 : i32 to index
        %get3A_132 = tpu.vector_load %arg9[%get3A_130, %get3A_131] {strides = array<i32>} : memref<16x512xf32, #tpu.memory_space<vmem>>, vector<1x16xf32>,
        %get3A_133 = vector.shape_cast %get3A_132 : vector<1x16xf32> to vector<16xf32>
        %abs3A = math.absf %get3A_117 : vector<16xf32>
        %neg3A = arith.constant 0.000000e+00 : f32
        %neg3A_134 = vector.broadcast %neg3A : f32 to vector<16xf32>
        %neg3A_135 = arith.subf %neg3A_134, %abs3A : vector<16xf32>
        %exp3A = math.exp %neg3A_135 : vector<16xf32>
        %broadcast_in_dim3A_136 = arith.constant 0.0142017277 : f32
        %broadcast_in_dim3A_137 = vector.broadcast %broadcast_in_dim3A_136 : f32 to vector<16xf32>
        %mul3A_138 = arith.mulf %broadcast_in_dim3A_137, %exp3A : vector<16xf32>
        %add3A_139 = arith.constant -0.0665847138 : f32
        %add3A_140 = vector.broadcast %add3A_139 : f32 to vector<16xf32>
        %add3A_141 = arith.addf %mul3A_138, %add3A_140 : vector<16xf32>
        %mul3A_142 = arith.mulf %add3A_141, %exp3A : vector<16xf32>
        %add3A_143 = arith.constant 0.149430707 : f32
        %add3A_144 = vector.broadcast %add3A_143 : f32 to vector<16xf32>
        %add3A_145 = arith.addf %mul3A_142, %add3A_144 : vector<16xf32>
        %mul3A_146 = arith.mulf %add3A_145, %exp3A : vector<16xf32>
        %add3A_147 = arith.constant -0.235146478 : f32
        %add3A_148 = vector.broadcast %add3A_147 : f32 to vector<16xf32>
        %add3A_149 = arith.addf %mul3A_146, %add3A_148 : vector<16xf32>
        %mul3A_150 = arith.mulf %add3A_149, %exp3A : vector<16xf32>
        %add3A_151 = arith.constant 0.331119955 : f32
        %add3A_152 = vector.broadcast %add3A_151 : f32 to vector<16xf32>
        %add3A_153 = arith.addf %mul3A_150, %add3A_152 : vector<16xf32>
        %mul3A_154 = arith.mulf %add3A_153, %exp3A : vector<16xf32>
        %add3A_155 = arith.constant -0.49987185 : f32
        %add3A_156 = vector.broadcast %add3A_155 : f32 to vector<16xf32>
        %add3A_157 = arith.addf %mul3A_154, %add3A_156 : vector<16xf32>
        %mul3A_158 = arith.mulf %add3A_157, %exp3A : vector<16xf32>
        %add3A_159 = arith.constant 0.999998748 : f32
        %add3A_160 = vector.broadcast %add3A_159 : f32 to vector<16xf32>
        %add3A_161 = arith.addf %mul3A_158, %add3A_160 : vector<16xf32>
        %mul3A_162 = arith.mulf %exp3A, %add3A_161 : vector<16xf32>
        %max3A = arith.constant 0.000000e+00 : f32
        %max3A_163 = vector.broadcast %max3A : f32 to vector<16xf32>
        %max3A_164 = arith.maximumf %get3A_117, %max3A_163 : vector<16xf32>
        %mul3A_165 = arith.mulf %get3A_117, %get3A_121 : vector<16xf32>
        %sub3A = arith.subf %max3A_164, %mul3A_165 : vector<16xf32>
        %add3A_166 = arith.addf %sub3A, %mul3A_162 : vector<16xf32>
        %ge3A = arith.constant 0.000000e+00 : f32
        %ge3A_167 = vector.broadcast %ge3A : f32 to vector<16xf32>
        %ge3A_168 = arith.cmpf oge, %get3A_117, %ge3A_167 : vector<16xf32>
        %broadcast_in_dim3A_169 = arith.constant 1.000000e+00 : f32
        %broadcast_in_dim3A_170 = vector.broadcast %broadcast_in_dim3A_169 : f32 to vector<16xf32>
        %select_n3A = arith.select %ge3A_168, %broadcast_in_dim3A_170, %exp3A : vector<16xi1>, vector<16xf32>
        %add3A_171 = arith.constant 1.000000e+00 : f32
        %add3A_172 = vector.broadcast %add3A_171 : f32 to vector<16xf32>
        %add3A_173 = arith.addf %add3A_172, %exp3A : vector<16xf32>
        %div3A = arith.divf %select_n3A, %add3A_173 : vector<16xf32>
        %mul3A_174 = arith.constant 2.000000e+00 : f32
        %mul3A_175 = vector.broadcast %mul3A_174 : f32 to vector<16xf32>
        %mul3A_176 = arith.mulf %mul3A_175, %get3A_121 : vector<16xf32>
        %sub3A_177 = arith.constant 1.000000e+00 : f32
        %sub3A_178 = vector.broadcast %sub3A_177 : f32 to vector<16xf32>
        %sub3A_179 = arith.subf %sub3A_178, %mul3A_176 : vector<16xf32>
        %mul3A_180 = arith.mulf %div3A, %sub3A_179 : vector<16xf32>
        %add3A_181 = arith.addf %get3A_121, %mul3A_180 : vector<16xf32>
        %mul3A_182 = arith.constant 5.000000e-01 : f32
        %mul3A_183 = vector.broadcast %mul3A_182 : f32 to vector<16xf32>
        %mul3A_184 = arith.mulf %mul3A_183, %get3A_121 : vector<16xf32>
        %sub3A_185 = arith.constant 7.500000e-01 : f32
        %sub3A_186 = vector.broadcast %sub3A_185 : f32 to vector<16xf32>
        %sub3A_187 = arith.subf %sub3A_186, %mul3A_184 : vector<16xf32>
        %mul3A_188 = arith.mulf %add3A_181, %add3A_181 : vector<16xf32>
        %mul3A_189 = arith.mulf %add3A_166, %mul3A_188 : vector<16xf32>
        %mul3A_190 = arith.mulf %mul3A_189, %sub3A_187 : vector<16xf32>
        %add3A_191 = arith.addf %abs3A, %get3A_121 : vector<16xf32>
        %ne3A = arith.constant 0.000000e+00 : f32
        %ne3A_192 = vector.broadcast %ne3A : f32 to vector<16xf32>
        %ne3A_193 = arith.cmpf one, %add3A_191, %ne3A_192 : vector<16xf32>
        %jit3A = arith.constant 0.000000e+00 : f32
        %broadcast_in_dim3A_194 = vector.broadcast %jit3A : f32 to vector<16xf32>
        %select_n3A_195 = arith.select %ne3A_193, %mul3A_190, %broadcast_in_dim3A_194 : vector<16xi1>, vector<16xf32>
        %gt3A = arith.constant 5.000000e-01 : f32
        %gt3A_196 = vector.broadcast %gt3A : f32 to vector<16xf32>
        %gt3A_197 = arith.cmpf ogt, %get3A_121, %gt3A_196 : vector<16xf32>
        %jit3A_198 = arith.constant 1.000000e+00 : f32
        %jit3A_199 = arith.constant 0.000000e+00 : f32
        %broadcast_in_dim3A_200 = vector.broadcast %jit3A_198 : f32 to vector<16xf32>
        %broadcast_in_dim3A_201 = vector.broadcast %jit3A_199 : f32 to vector<16xf32>
        %select_n3A_202 = arith.select %gt3A_197, %broadcast_in_dim3A_200, %broadcast_in_dim3A_201 : vector<16xi1>, vector<16xf32>
        %abs3A_203 = math.absf %get3A_127 : vector<16xf32>
        %neg3A_204 = arith.constant 0.000000e+00 : f32
        %neg3A_205 = vector.broadcast %neg3A_204 : f32 to vector<16xf32>
        %neg3A_206 = arith.subf %neg3A_205, %abs3A_203 : vector<16xf32>
        %exp3A_207 = math.exp %neg3A_206 : vector<16xf32>
        %broadcast_in_dim3A_208 = arith.constant 0.0142017277 : f32
        %broadcast_in_dim3A_209 = vector.broadcast %broadcast_in_dim3A_208 : f32 to vector<16xf32>
        %mul3A_210 = arith.mulf %broadcast_in_dim3A_209, %exp3A_207 : vector<16xf32>
        %add3A_211 = arith.constant -0.0665847138 : f32
        %add3A_212 = vector.broadcast %add3A_211 : f32 to vector<16xf32>
        %add3A_213 = arith.addf %mul3A_210, %add3A_212 : vector<16xf32>
        %mul3A_214 = arith.mulf %add3A_213, %exp3A_207 : vector<16xf32>
        %add3A_215 = arith.constant 0.149430707 : f32
        %add3A_216 = vector.broadcast %add3A_215 : f32 to vector<16xf32>
        %add3A_217 = arith.addf %mul3A_214, %add3A_216 : vector<16xf32>
        %mul3A_218 = arith.mulf %add3A_217, %exp3A_207 : vector<16xf32>
        %add3A_219 = arith.constant -0.235146478 : f32
        %add3A_220 = vector.broadcast %add3A_219 : f32 to vector<16xf32>
        %add3A_221 = arith.addf %mul3A_218, %add3A_220 : vector<16xf32>
        %mul3A_222 = arith.mulf %add3A_221, %exp3A_207 : vector<16xf32>
        %add3A_223 = arith.constant 0.331119955 : f32
        %add3A_224 = vector.broadcast %add3A_223 : f32 to vector<16xf32>
        %add3A_225 = arith.addf %mul3A_222, %add3A_224 : vector<16xf32>
        %mul3A_226 = arith.mulf %add3A_225, %exp3A_207 : vector<16xf32>
        %add3A_227 = arith.constant -0.49987185 : f32
        %add3A_228 = vector.broadcast %add3A_227 : f32 to vector<16xf32>
        %add3A_229 = arith.addf %mul3A_226, %add3A_228 : vector<16xf32>
        %mul3A_230 = arith.mulf %add3A_229, %exp3A_207 : vector<16xf32>
        %add3A_231 = arith.constant 0.999998748 : f32
        %add3A_232 = vector.broadcast %add3A_231 : f32 to vector<16xf32>
        %add3A_233 = arith.addf %mul3A_230, %add3A_232 : vector<16xf32>
        %mul3A_234 = arith.mulf %exp3A_207, %add3A_233 : vector<16xf32>
        %max3A_235 = arith.constant 0.000000e+00 : f32
        %max3A_236 = vector.broadcast %max3A_235 : f32 to vector<16xf32>
        %max3A_237 = arith.maximumf %get3A_127, %max3A_236 : vector<16xf32>
        %mul3A_238 = arith.mulf %get3A_127, %get3A_133 : vector<16xf32>
        %sub3A_239 = arith.subf %max3A_237, %mul3A_238 : vector<16xf32>
        %add3A_240 = arith.addf %sub3A_239, %mul3A_234 : vector<16xf32>
        %ge3A_241 = arith.constant 0.000000e+00 : f32
        %ge3A_242 = vector.broadcast %ge3A_241 : f32 to vector<16xf32>
        %ge3A_243 = arith.cmpf oge, %get3A_127, %ge3A_242 : vector<16xf32>
        %broadcast_in_dim3A_244 = arith.constant 1.000000e+00 : f32
        %broadcast_in_dim3A_245 = vector.broadcast %broadcast_in_dim3A_244 : f32 to vector<16xf32>
        %select_n3A_246 = arith.select %ge3A_243, %broadcast_in_dim3A_245, %exp3A_207 : vector<16xi1>, vector<16xf32>
        %add3A_247 = arith.constant 1.000000e+00 : f32
        %add3A_248 = vector.broadcast %add3A_247 : f32 to vector<16xf32>
        %add3A_249 = arith.addf %add3A_248, %exp3A_207 : vector<16xf32>
        %div3A_250 = arith.divf %select_n3A_246, %add3A_249 : vector<16xf32>
        %mul3A_251 = arith.constant 2.000000e+00 : f32
        %mul3A_252 = vector.broadcast %mul3A_251 : f32 to vector<16xf32>
        %mul3A_253 = arith.mulf %mul3A_252, %get3A_133 : vector<16xf32>
        %sub3A_254 = arith.constant 1.000000e+00 : f32
        %sub3A_255 = vector.broadcast %sub3A_254 : f32 to vector<16xf32>
        %sub3A_256 = arith.subf %sub3A_255, %mul3A_253 : vector<16xf32>
        %mul3A_257 = arith.mulf %div3A_250, %sub3A_256 : vector<16xf32>
        %add3A_258 = arith.addf %get3A_133, %mul3A_257 : vector<16xf32>
        %mul3A_259 = arith.constant 5.000000e-01 : f32
        %mul3A_260 = vector.broadcast %mul3A_259 : f32 to vector<16xf32>
        %mul3A_261 = arith.mulf %mul3A_260, %get3A_133 : vector<16xf32>
        %sub3A_262 = arith.constant 7.500000e-01 : f32
        %sub3A_263 = vector.broadcast %sub3A_262 : f32 to vector<16xf32>
        %sub3A_264 = arith.subf %sub3A_263, %mul3A_261 : vector<16xf32>
        %mul3A_265 = arith.mulf %add3A_258, %add3A_258 : vector<16xf32>
        %mul3A_266 = arith.mulf %add3A_240, %mul3A_265 : vector<16xf32>
        %mul3A_267 = arith.mulf %mul3A_266, %sub3A_264 : vector<16xf32>
        %add3A_268 = arith.addf %abs3A_203, %get3A_133 : vector<16xf32>
        %ne3A_269 = arith.constant 0.000000e+00 : f32
        %ne3A_270 = vector.broadcast %ne3A_269 : f32 to vector<16xf32>
        %ne3A_271 = arith.cmpf one, %add3A_268, %ne3A_270 : vector<16xf32>
        %jit3A_272 = arith.constant 0.000000e+00 : f32
        %broadcast_in_dim3A_273 = vector.broadcast %jit3A_272 : f32 to vector<16xf32>
        %select_n3A_274 = arith.select %ne3A_271, %mul3A_267, %broadcast_in_dim3A_273 : vector<16xi1>, vector<16xf32>
        %gt3A_275 = arith.constant 5.000000e-01 : f32
        %gt3A_276 = vector.broadcast %gt3A_275 : f32 to vector<16xf32>
        %gt3A_277 = arith.cmpf ogt, %get3A_133, %gt3A_276 : vector<16xf32>
        %jit3A_278 = arith.constant 1.000000e+00 : f32
        %jit3A_279 = arith.constant 0.000000e+00 : f32
        %broadcast_in_dim3A_280 = vector.broadcast %jit3A_278 : f32 to vector<16xf32>
        %broadcast_in_dim3A_281 = vector.broadcast %jit3A_279 : f32 to vector<16xf32>
        %select_n3A_282 = arith.select %gt3A_277, %broadcast_in_dim3A_280, %broadcast_in_dim3A_281 : vector<16xi1>, vector<16xf32>
        %add3A_283 = arith.addf %scan3A_107, %select_n3A_195 : vector<16xf32>
        %add3A_284 = arith.addf %scan3A_108, %select_n3A_202 : vector<16xf32>
        %add3A_285 = arith.addf %scan3A_109, %select_n3A_274 : vector<16xf32>
        %add3A_286 = arith.addf %scan3A_110, %select_n3A_282 : vector<16xf32>
        scf.yield %add3A_283, %add3A_284, %add3A_285, %add3A_286 : vector<16xf32>, vector<16xf32>, vector<16xf32>, vector<16xf32>
      }
      %scan3A_96 = arith.constant 256 : i32
      %add3A_97 = arith.addf %scan3A_95#0, %scan3A_95#2 : vector<16xf32>
      %add3A_98 = arith.addf %scan3A_95#1, %scan3A_95#3 : vector<16xf32>
      %add3A_99 = arith.constant 2 : i32
      %add3A_100 = arith.addi %add3A_73, %add3A_99 : i32
      %lt3A_101 = arith.constant 16 : i32
      %lt3A_102 = arith.cmpi slt, %add3A_100, %lt3A_101 : i32
      %convert_element_type3A_103 = arith.extui %lt3A_102 : i1 to i32
      %cond3A_104 = arith.constant 0 : i32
      %cond3A_105 = arith.cmpi ne, %convert_element_type3A_103, %cond3A_104 : i32
      scf.if %cond3A_105 {
        %mul3A_106 = arith.constant 16 : i32
        %mul3A_107 = arith.muli %add3A_100, %mul3A_106 : i32
        %add3A_108 = arith.addi %mul3A_2, %mul3A_107 : i32
        %dma_start3A_109 = arith.constant 0 : i32
        %dma_start3A_110 = tpu.memref_slice %arg2[%add3A_108, %dma_start3A_109] : memref<32768x512xf32, #tpu.memory_space<hbm>> -> memref<16x512xf32, #tpu.memory_space<hbm>>
        %dma_start3A_111 = arith.constant 0 : i32
        %dma_start3A_112 = tpu.memref_slice %arg2[%add3A_108, %dma_start3A_111] : memref<32768x512xf32, #tpu.memory_space<hbm>> -> memref<16x512xf32, #tpu.memory_space<hbm>>
        tpu.enqueue_dma source(%dma_start3A_112 : memref<16x512xf32, #tpu.memory_space<hbm>>) target(%arg7 : memref<16x512xf32, #tpu.memory_space<vmem>>) target_semaphore(%arg13 : memref<!tpu.dma_semaphore, #tpu.memory_space<semaphore_mem>>)
        %dma_start3A_113 = arith.constant 0 : i32
        %dma_start3A_114 = tpu.memref_slice %arg3[%add3A_108, %dma_start3A_113] : memref<32768x512xf32, #tpu.memory_space<hbm>> -> memref<16x512xf32, #tpu.memory_space<hbm>>
        %dma_start3A_115 = arith.constant 0 : i32
        %dma_start3A_116 = tpu.memref_slice %arg3[%add3A_108, %dma_start3A_115] : memref<32768x512xf32, #tpu.memory_space<hbm>> -> memref<16x512xf32, #tpu.memory_space<hbm>>
        tpu.enqueue_dma source(%dma_start3A_116 : memref<16x512xf32, #tpu.memory_space<hbm>>) target(%arg9 : memref<16x512xf32, #tpu.memory_space<vmem>>) target_semaphore(%arg13 : memref<!tpu.dma_semaphore, #tpu.memory_space<semaphore_mem>>)
      } else {
      }
      scf.yield %add3A_97, %add3A_98 : vector<16xf32>, vector<16xf32>
    }
    %scan3A_27 = arith.constant 8 : i32
    %swap3A = arith.constant 0 : index
    %swap3A_28 = tpu.vector_load %arg10[%swap3A] {strides = array<i32>} : memref<16xf32, #tpu.memory_space<vmem>>, vector<16xf32>,
    %swap3A_29 = vector.shape_cast %swap3A_28 : vector<16xf32> to vector<16xf32>
    %swap3A_30 = vector.shape_cast %scan3A_26#0 : vector<16xf32> to vector<16xf32>
    tpu.vector_store %arg10[%swap3A], %swap3A_30 {strides = array<i32>} : memref<16xf32, #tpu.memory_space<vmem>>, vector<16xf32>,
    %swap3A_31 = arith.constant 0 : index
    %swap3A_32 = tpu.vector_load %arg11[%swap3A_31] {strides = array<i32>} : memref<16xf32, #tpu.memory_space<vmem>>, vector<16xf32>,
    %swap3A_33 = vector.shape_cast %swap3A_32 : vector<16xf32> to vector<16xf32>
    %swap3A_34 = vector.shape_cast %scan3A_26#1 : vector<16xf32> to vector<16xf32>
    tpu.vector_store %arg11[%swap3A_31], %swap3A_34 {strides = array<i32>} : memref<16xf32, #tpu.memory_space<vmem>>, vector<16xf32>,
    "tpu.region"() ({
      %run_scoped3A = tpu.sem_alloc : memref<!tpu.dma_semaphore, #tpu.memory_space<semaphore_mem>>
      %dma_start3A_35 = arith.constant 0 : i32
      %dma_start3A_36 = tpu.memref_slice %arg4[%add3A, %dma_start3A_35] : memref<32x16xf32, #tpu.memory_space<hbm>> -> memref<1x16xf32, #tpu.memory_space<hbm>>
      %dma_start3A_37 = tpu.memref_squeeze %dma_start3A_36 : memref<1x16xf32, #tpu.memory_space<hbm>> -> memref<16xf32, #tpu.memory_space<hbm>>
      %dma_start3A_38 = arith.constant 0 : i32
      %dma_start3A_39 = tpu.memref_slice %arg4[%add3A, %dma_start3A_38] : memref<32x16xf32, #tpu.memory_space<hbm>> -> memref<1x16xf32, #tpu.memory_space<hbm>>
      %dma_start3A_40 = tpu.memref_squeeze %dma_start3A_39 : memref<1x16xf32, #tpu.memory_space<hbm>> -> memref<16xf32, #tpu.memory_space<hbm>>
      tpu.enqueue_dma source(%arg10 : memref<16xf32, #tpu.memory_space<vmem>>) target(%dma_start3A_40 : memref<16xf32, #tpu.memory_space<hbm>>) target_semaphore(%run_scoped3A : memref<!tpu.dma_semaphore, #tpu.memory_space<semaphore_mem>>)
      %dma_wait3A = arith.constant 0 : i32
      %dma_wait3A_41 = tpu.memref_slice %arg4[%add3A, %dma_wait3A] : memref<32x16xf32, #tpu.memory_space<hbm>> -> memref<1x16xf32, #tpu.memory_space<hbm>>
      %dma_wait3A_42 = tpu.memref_squeeze %dma_wait3A_41 : memref<1x16xf32, #tpu.memory_space<hbm>> -> memref<16xf32, #tpu.memory_space<hbm>>
      %dma_wait3A_43 = arith.constant 0 : i32
      %dma_wait3A_44 = tpu.memref_slice %arg4[%add3A, %dma_wait3A_43] : memref<32x16xf32, #tpu.memory_space<hbm>> -> memref<1x16xf32, #tpu.memory_space<hbm>>
      %dma_wait3A_45 = tpu.memref_squeeze %dma_wait3A_44 : memref<1x16xf32, #tpu.memory_space<hbm>> -> memref<16xf32, #tpu.memory_space<hbm>>
      tpu.wait_dma2 semaphore(%run_scoped3A : memref<!tpu.dma_semaphore, #tpu.memory_space<semaphore_mem>>) src(%arg10 : memref<16xf32, #tpu.memory_space<vmem>>) dst(%dma_wait3A_45 : memref<16xf32, #tpu.memory_space<hbm>>)
      tpu.yield
    }) : () -> ()
    "tpu.region"() ({
      %run_scoped3A = tpu.sem_alloc : memref<!tpu.dma_semaphore, #tpu.memory_space<semaphore_mem>>
      %dma_start3A_35 = arith.constant 0 : i32
      %dma_start3A_36 = tpu.memref_slice %arg5[%add3A, %dma_start3A_35] : memref<32x16xf32, #tpu.memory_space<hbm>> -> memref<1x16xf32, #tpu.memory_space<hbm>>
      %dma_start3A_37 = tpu.memref_squeeze %dma_start3A_36 : memref<1x16xf32, #tpu.memory_space<hbm>> -> memref<16xf32, #tpu.memory_space<hbm>>
      %dma_start3A_38 = arith.constant 0 : i32
      %dma_start3A_39 = tpu.memref_slice %arg5[%add3A, %dma_start3A_38] : memref<32x16xf32, #tpu.memory_space<hbm>> -> memref<1x16xf32, #tpu.memory_space<hbm>>
      %dma_start3A_40 = tpu.memref_squeeze %dma_start3A_39 : memref<1x16xf32, #tpu.memory_space<hbm>> -> memref<16xf32, #tpu.memory_space<hbm>>
      tpu.enqueue_dma source(%arg11 : memref<16xf32, #tpu.memory_space<vmem>>) target(%dma_start3A_40 : memref<16xf32, #tpu.memory_space<hbm>>) target_semaphore(%run_scoped3A : memref<!tpu.dma_semaphore, #tpu.memory_space<semaphore_mem>>)
      %dma_wait3A = arith.constant 0 : i32
      %dma_wait3A_41 = tpu.memref_slice %arg5[%add3A, %dma_wait3A] : memref<32x16xf32, #tpu.memory_space<hbm>> -> memref<1x16xf32, #tpu.memory_space<hbm>>
      %dma_wait3A_42 = tpu.memref_squeeze %dma_wait3A_41 : memref<1x16xf32, #tpu.memory_space<hbm>> -> memref<16xf32, #tpu.memory_space<hbm>>
      %dma_wait3A_43 = arith.constant 0 : i32
      %dma_wait3A_44 = tpu.memref_slice %arg5[%add3A, %dma_wait3A_43] : memref<32x16xf32, #tpu.memory_space<hbm>> -> memref<1x16xf32, #tpu.memory_space<hbm>>
      %dma_wait3A_45 = tpu.memref_squeeze %dma_wait3A_44 : memref<1x16xf32, #tpu.memory_space<hbm>> -> memref<16xf32, #tpu.memory_space<hbm>>
      tpu.wait_dma2 semaphore(%run_scoped3A : memref<!tpu.dma_semaphore, #tpu.memory_space<semaphore_mem>>) src(%arg11 : memref<16xf32, #tpu.memory_space<vmem>>) dst(%dma_wait3A_45 : memref<16xf32, #tpu.memory_space<hbm>>)
      tpu.yield
    }) : () -> ()
    return
  }
}

module attributes {stable_mosaic.version = 14 : i64} {
  func.func @_tc_body(%arg0: i32, %arg1: memref<2048x512xf32, #tpu.memory_space<vmem>>, %arg2: memref<2048x512xf32, #tpu.memory_space<vmem>>, %arg3: memref<1xf32, #tpu.memory_space<smem>>, %arg4: memref<1xf32, #tpu.memory_space<smem>>) attributes {dimension_semantics = [#tpu.dimension_semantics<arbitrary>], iteration_bounds = array<i64: 12>, scalar_prefetch = 0 : i64, scratch_operands = 0 : i64, tpu.core_type = #tpu.core_type<tc>, window_params = [{transform_indices = @transform_0, window_bounds = array<i64: 2048, 512>}, {transform_indices = @transform_1, window_bounds = array<i64: 2048, 512>}, {transform_indices = @transform_2, window_bounds = array<i64: 1>}, {transform_indices = @transform_3, window_bounds = array<i64: 1>}]} {
    %broadcast_in_dim3A = arith.constant 0.000000e+00 : f32
    %broadcast_in_dim3A_0 = vector.broadcast %broadcast_in_dim3A : f32 to vector<16x512xf32>
    %scan3A = arith.constant 0 : i32
    %scan3A_1 = arith.constant 128 : i32
    %scan3A_2 = arith.addi %scan3A, %scan3A_1 : i32
    %scan3A_3 = arith.constant 1 : i32
    %scan3A_4:2 = scf.for %scan3A_24 = %scan3A to %scan3A_2 step %scan3A_3 iter_args(%scan3A_25 = %broadcast_in_dim3A_0, %scan3A_26 = %broadcast_in_dim3A_0) -> (vector<16x512xf32>, vector<16x512xf32>)  : i32 {
      %mul3A = arith.constant 16 : i32
      %mul3A_27 = arith.muli %scan3A_24, %mul3A : i32
      %get3A_28 = arith.index_cast %mul3A_27 : i32 to index
      %get3A_29 = arith.constant 0 : index
      %get3A_30 = vector.load %arg1[%get3A_28, %get3A_29] : memref<2048x512xf32, #tpu.memory_space<vmem>>, vector<16x512xf32>
      %mul3A_31 = arith.constant 16 : i32
      %mul3A_32 = arith.muli %scan3A_24, %mul3A_31 : i32
      %get3A_33 = arith.index_cast %mul3A_32 : i32 to index
      %get3A_34 = arith.constant 0 : index
      %get3A_35 = vector.load %arg2[%get3A_33, %get3A_34] : memref<2048x512xf32, #tpu.memory_space<vmem>>, vector<16x512xf32>
      %abs3A = math.absf %get3A_30 : vector<16x512xf32>
      %neg3A = arith.constant 0.000000e+00 : f32
      %neg3A_36 = vector.broadcast %neg3A : f32 to vector<16x512xf32>
      %neg3A_37 = arith.subf %neg3A_36, %abs3A : vector<16x512xf32>
      %exp3A = math.exp %neg3A_37 : vector<16x512xf32>
      %log1p3A = math.log1p %exp3A : vector<16x512xf32>
      %max3A = arith.constant 0.000000e+00 : f32
      %max3A_38 = vector.broadcast %max3A : f32 to vector<16x512xf32>
      %max3A_39 = arith.maximumf %get3A_30, %max3A_38 : vector<16x512xf32>
      %mul3A_40 = arith.mulf %get3A_30, %get3A_35 : vector<16x512xf32>
      %sub3A = arith.subf %max3A_39, %mul3A_40 : vector<16x512xf32>
      %add3A_41 = arith.addf %sub3A, %log1p3A : vector<16x512xf32>
      %ge3A = arith.constant 0.000000e+00 : f32
      %ge3A_42 = vector.broadcast %ge3A : f32 to vector<16x512xf32>
      %ge3A_43 = arith.cmpf oge, %get3A_30, %ge3A_42 : vector<16x512xf32>
      %broadcast_in_dim3A_44 = arith.constant 1.000000e+00 : f32
      %broadcast_in_dim3A_45 = vector.broadcast %broadcast_in_dim3A_44 : f32 to vector<16x512xf32>
      %select_n3A = arith.select %ge3A_43, %broadcast_in_dim3A_45, %exp3A : vector<16x512xi1>, vector<16x512xf32>
      %add3A_46 = arith.constant 1.000000e+00 : f32
      %add3A_47 = vector.broadcast %add3A_46 : f32 to vector<16x512xf32>
      %add3A_48 = arith.addf %add3A_47, %exp3A : vector<16x512xf32>
      %div3A = arith.divf %select_n3A, %add3A_48 : vector<16x512xf32>
      %mul3A_49 = arith.constant 2.000000e+00 : f32
      %mul3A_50 = vector.broadcast %mul3A_49 : f32 to vector<16x512xf32>
      %mul3A_51 = arith.mulf %mul3A_50, %get3A_35 : vector<16x512xf32>
      %sub3A_52 = arith.constant 1.000000e+00 : f32
      %sub3A_53 = vector.broadcast %sub3A_52 : f32 to vector<16x512xf32>
      %sub3A_54 = arith.subf %sub3A_53, %mul3A_51 : vector<16x512xf32>
      %mul3A_55 = arith.mulf %div3A, %sub3A_54 : vector<16x512xf32>
      %add3A_56 = arith.addf %get3A_35, %mul3A_55 : vector<16x512xf32>
      %mul3A_57 = arith.constant 5.000000e-01 : f32
      %mul3A_58 = vector.broadcast %mul3A_57 : f32 to vector<16x512xf32>
      %mul3A_59 = arith.mulf %mul3A_58, %get3A_35 : vector<16x512xf32>
      %sub3A_60 = arith.constant 7.500000e-01 : f32
      %sub3A_61 = vector.broadcast %sub3A_60 : f32 to vector<16x512xf32>
      %sub3A_62 = arith.subf %sub3A_61, %mul3A_59 : vector<16x512xf32>
      %mul3A_63 = arith.mulf %add3A_56, %add3A_56 : vector<16x512xf32>
      %mul3A_64 = arith.mulf %add3A_41, %mul3A_63 : vector<16x512xf32>
      %mul3A_65 = arith.mulf %mul3A_64, %sub3A_62 : vector<16x512xf32>
      %add3A_66 = arith.addf %abs3A, %get3A_35 : vector<16x512xf32>
      %ne3A = arith.constant 0.000000e+00 : f32
      %ne3A_67 = vector.broadcast %ne3A : f32 to vector<16x512xf32>
      %ne3A_68 = arith.cmpf one, %add3A_66, %ne3A_67 : vector<16x512xf32>
      %jit3A = arith.constant 0.000000e+00 : f32
      %broadcast_in_dim3A_69 = vector.broadcast %jit3A : f32 to vector<16x512xf32>
      %select_n3A_70 = arith.select %ne3A_68, %mul3A_65, %broadcast_in_dim3A_69 : vector<16x512xi1>, vector<16x512xf32>
      %gt3A = arith.constant 5.000000e-01 : f32
      %gt3A_71 = vector.broadcast %gt3A : f32 to vector<16x512xf32>
      %gt3A_72 = arith.cmpf ogt, %get3A_35, %gt3A_71 : vector<16x512xf32>
      %jit3A_73 = arith.constant 1.000000e+00 : f32
      %jit3A_74 = arith.constant 0.000000e+00 : f32
      %broadcast_in_dim3A_75 = vector.broadcast %jit3A_73 : f32 to vector<16x512xf32>
      %broadcast_in_dim3A_76 = vector.broadcast %jit3A_74 : f32 to vector<16x512xf32>
      %select_n3A_77 = arith.select %gt3A_72, %broadcast_in_dim3A_75, %broadcast_in_dim3A_76 : vector<16x512xi1>, vector<16x512xf32>
      %add3A_78 = arith.addf %scan3A_25, %select_n3A_70 : vector<16x512xf32>
      %add3A_79 = arith.addf %scan3A_26, %select_n3A_77 : vector<16x512xf32>
      scf.yield %add3A_78, %add3A_79 : vector<16x512xf32>, vector<16x512xf32>
    }
    %scan3A_5 = arith.constant 128 : i32
    %reduce_sum3A = vector.shape_cast %scan3A_4#0 : vector<16x512xf32> to vector<1x16x512xf32>
    %reduce_sum3A_6 = arith.constant dense<0.000000e+00> : vector<1xf32>
    %reduce_sum3A_7 = vector.multi_reduction <add>, %reduce_sum3A, %reduce_sum3A_6 [1, 2] : vector<1x16x512xf32> to vector<1xf32>
    %reduce_sum3A_8 = vector.shape_cast %reduce_sum3A_7 : vector<1xf32> to vector<1x1x1xf32>
    %reduce_sum3A_9 = vector.extract %reduce_sum3A_8[0, 0, 0] : f32 from vector<1x1x1xf32>
    %reduce_sum3A_10 = vector.shape_cast %scan3A_4#1 : vector<16x512xf32> to vector<1x16x512xf32>
    %reduce_sum3A_11 = arith.constant dense<0.000000e+00> : vector<1xf32>
    %reduce_sum3A_12 = vector.multi_reduction <add>, %reduce_sum3A_10, %reduce_sum3A_11 [1, 2] : vector<1x16x512xf32> to vector<1xf32>
    %reduce_sum3A_13 = vector.shape_cast %reduce_sum3A_12 : vector<1xf32> to vector<1x1x1xf32>
    %reduce_sum3A_14 = vector.extract %reduce_sum3A_13[0, 0, 0] : f32 from vector<1x1x1xf32>
    %eq3A = arith.constant 0 : i32
    %eq3A_15 = arith.cmpi eq, %arg0, %eq3A : i32
    %convert_element_type3A = arith.extui %eq3A_15 : i1 to i32
    %cond3A = arith.constant 0 : i32
    %cond3A_16 = arith.cmpi ne, %convert_element_type3A, %cond3A : i32
    scf.if %cond3A_16 {
      %swap3A_24 = arith.constant 0.000000e+00 : f32
      %swap3A_25 = arith.constant 0 : index
      %swap3A_26 = memref.load %arg3[%swap3A_25] : memref<1xf32, #tpu.memory_space<smem>>
      memref.store %swap3A_24, %arg3[%swap3A_25] : memref<1xf32, #tpu.memory_space<smem>>
      %swap3A_27 = arith.constant 0.000000e+00 : f32
      %swap3A_28 = arith.constant 0 : index
      %swap3A_29 = memref.load %arg4[%swap3A_28] : memref<1xf32, #tpu.memory_space<smem>>
      memref.store %swap3A_27, %arg4[%swap3A_28] : memref<1xf32, #tpu.memory_space<smem>>
    } else {
    }
    %get3A = arith.constant 0 : index
    %get3A_17 = memref.load %arg3[%get3A] : memref<1xf32, #tpu.memory_space<smem>>
    %add3A = arith.addf %get3A_17, %reduce_sum3A_9 : f32
    %swap3A = arith.constant 0 : index
    %swap3A_18 = memref.load %arg3[%swap3A] : memref<1xf32, #tpu.memory_space<smem>>
    memref.store %add3A, %arg3[%swap3A] : memref<1xf32, #tpu.memory_space<smem>>
    %get3A_19 = arith.constant 0 : index
    %get3A_20 = memref.load %arg4[%get3A_19] : memref<1xf32, #tpu.memory_space<smem>>
    %add3A_21 = arith.addf %get3A_20, %reduce_sum3A_14 : f32
    %swap3A_22 = arith.constant 0 : index
    %swap3A_23 = memref.load %arg4[%swap3A_22] : memref<1xf32, #tpu.memory_space<smem>>
    memref.store %add3A_21, %arg4[%swap3A_22] : memref<1xf32, #tpu.memory_space<smem>>
    return
  }
  func.func @transform_0(%arg0: i32) -> (i32, i32) {
    %add3A = arith.constant 4 : i32
    %add3A_0 = arith.addi %arg0, %add3A : i32
    %c0_i32 = arith.constant 0 : i32
    %c0_i32_1 = arith.constant 0 : i32
    return %add3A_0, %c0_i32 : i32, i32
  }
  func.func @transform_1(%arg0: i32) -> (i32, i32) {
    %add3A = arith.constant 4 : i32
    %add3A_0 = arith.addi %arg0, %add3A : i32
    %c0_i32 = arith.constant 0 : i32
    %c0_i32_1 = arith.constant 0 : i32
    return %add3A_0, %c0_i32 : i32, i32
  }
  func.func @transform_2(%arg0: i32) -> i32 {
    %c0_i32 = arith.constant 0 : i32
    %c0_i32_0 = arith.constant 0 : i32
    return %c0_i32 : i32
  }
  func.func @transform_3(%arg0: i32) -> i32 {
    %c0_i32 = arith.constant 0 : i32
    %c0_i32_0 = arith.constant 0 : i32
    return %c0_i32 : i32
  }
}

</mosaic_0001>

<sc_bundles>
// kernel: kernel.4.cloned.1.call-start
scs
__scs_entry_jumppad:
0x0: {  	(pc) =	sbr.rel $0x88, $3  }
0x1: {  	(tag) =	ssettag $0x0;
	lr =	simm.s32 $0x1  }
0x2: {  	[smem:$0x3F9F] =	sst lr;
	_ =	strace $0xD0000000  }
0x3: {  	_ = 	snop  }
0x4: {  	_ = 	snop  }
0x5: {  	_ = 	snop  }
0x6: {  	_ = 	snop  }
0x7: {  	_ = 	snop  }
__scs_overlays_trampoline_lowered:
0x8: {  	[smem:$0x3FAE] =	sst s0  }
0x9: {  	[smem:$0x3FAF] =	sst s1  }
0xa: {  	[smem:$0x3FB0] =	sst s2  }
0xb: {  	[smem:$0x3FB1] =	sst s3  }
0xc: {  	[smem:$0x3FB2] =	sst s4  }
0xd: {  	[smem:$0x3FB3] =	sst s5  }
0xe: {  	[smem:$0x3FB4] =	sst s6  }
0xf: {  	[smem:$0x3FB5] =	sst s7  }
0x10: {  	[smem:$0x3FB6] =	sst s8  }
0x11: {  	[smem:$0x3FB7] =	sst s9;
	s0 =	simm.s32 @!p0 $0x0  }
0x12: {  	s1 =	sld [smem:$0x3F9D];
	s0 =	simm.s32 @p0 $0x1  }
0x13: {  	[smem:$0x3FB8] =	sst s0;
	s0 =	simm.s32 @!p1 $0x0  }
0x14: {  	s2 =	sld [smem:$0x3F9C];
	s0 =	simm.s32 @p1 $0x1  }
0x15: {  	[smem:$0x3FB9] =	sst s0;
	s0 =	simm.s32 @!p2 $0x0  }
0x16: {  	s3 =	sld [smem:$0x3FDB];
	s0 =	simm.s32 @p2 $0x1  }
0x17: {  	s4 =	simm.s32 $0x1BF5;
	[smem:$0x3FBB] =	sst s0  }
0x18: {  	s0 =	sld [smem:$0x3F9E];
	_ =	swait.ge [sflag:s4], $0x0  }
0x19: {  	s7 =	sld [smem:$0x3F9F]  }
0x1a: {  	s8 =	sadd.s32 $0xFFFFE003, lr  }
0x1b: {  	s9 =	sadd.s32 $0xFFFFFEF7, lr;
	s5 =	simm.s32 $0xFFFFFFFF;
	p2 =	slt.u32 s8, $0xFFFFF086  }
0x1c: {  	p1 =	slt.u32 s9, $0xF7A;
	s5 =	simm.s32 @!p2 $0x0  }
0x1d: {  	s5 =	simm.s32 @p1 $0x1;
	p0 =	seq.s32 s7, s2  }
0x1e: {  	s7 =	smul.u32 @!p0 $0xF7A, s2;
	p2 =	seq.s32 @!p0 s5, $0x0  }
0x1f: {  	s9 =	smul.u32 $0xF7A, s1;
	s8 =	simm.s32 @!p0 $0x1BF5;
	p2 =	por !p2, p0  }
0x20: {  	[sflag:s8] =	ssyncset.s32 @!p0 $0xFFFFF086;
	s6 =	sadd.s32 @!p0 s3, s7;
	s7 =	simm.s32 @!p0 $0x108  }
0x21: {  	s3 =	sadd.s32 s3, s9;
	s6 =	sadd.s32 @!p0 $0x88, s6;
	s7 =	simm.s32 @p2 $0x1082  }
0x22: {  	[simem:s7], [sflag:s8] =	dma.local @!p0 [hbm:s6], $0xF7A  }
0x23: {  	s9 =	sor.u32 $0xD0000000, s2;
	s6 =	simm.s32 $0x108;
	_ =	swait.ge @!p0 [sflag:s8], $0x0  }
0x24: {  	s3 =	sadd.s32 $0x88, s3;
	s6 =	simm.s32 @!p1 $0x1082;
	[sflag:s4] =	ssyncset.s32 $0xFFFFF086  }
0x25: {  	[simem:s6], [sflag:s4] =	dma.local [hbm:s3], $0xF7A  }
0x26: {  	[smem:$0x3F9F] =	sst s1;
	(tag) =	ssettag s2;
	_ =	strace s9  }
0x27: {  	s1 =	sld [smem:$0x3FAF]  }
0x28: {  	s2 =	sld [smem:$0x3FB0]  }
0x29: {  	s4 =	sld [smem:$0x3FB2]  }
0x2a: {  	p0 =	seq.s32 s5, $0x0;
	s5 =	sld [smem:$0x3FB3]  }
0x2b: {  	s6 =	sld [smem:$0x3FB4]  }
0x2c: {  	s7 =	sld [smem:$0x3FB5]  }
0x2d: {  	s3 =	simm.s32 $0x108;
	s8 =	sld [smem:$0x3FB6]  }
0x2e: {  	s3 =	simm.s32 @!p0 $0x1082;
	s9 =	sld [smem:$0x3FB7]  }
0x2f: {  	lr =	sadd.s32 s0, s3;
	s0 =	sld [smem:$0x3FAE]  }
0x30: {  	s3 =	sld [smem:$0x3FB1]  }
0x31: {  	[smem:$0x3FBA] =	sst s10  }
0x32: {  	s10 =	sld [smem:$0x3FB8];
	_ =	sdelay $0x3  }
0x33: {  	p0 =	seq.s32 s10, $0x1;
	s10 =	sld [smem:$0x3FBA];
	_ =	sdelay $0x3  }
0x34: {  	[smem:$0x3FBA] =	sst s10  }
0x35: {  	s10 =	sld [smem:$0x3FB9];
	_ =	sdelay $0x3  }
0x36: {  	p1 =	seq.s32 s10, $0x1;
	s10 =	sld [smem:$0x3FBA];
	_ =	sdelay $0x3  }
0x37: {  	[smem:$0x3FBA] =	sst s10  }
0x38: {  	s10 =	sld [smem:$0x3FBB]  }
0x39: {  	_ = 	snop;
	(pc) =	sbr.ind lr, $3  }
0x3a: {  	_ = 	snop  }
0x3b: {  	_ = 	snop  }
0x3c: {  	p2 =	seq.s32 s10, $0x1;
	s10 =	sld [smem:$0x3FBA]  }
0x3d: {  	_ =	shalt  }
0x3e: {  	_ =	shalt  }
0x3f: {  	_ =	shalt  }
0x40: {  	_ =	shalt  }
0x41: {  	_ =	shalt  }
0x42: {  	_ =	shalt  }
0x43: {  	_ =	shalt  }
0x44: {  	_ =	shalt  }
0x45: {  	_ =	shalt  }
0x46: {  	_ =	shalt  }
0x47: {  	_ =	shalt  }
0x48: {  	_ =	shalt  }
0x49: {  	_ =	shalt  }
0x4a: {  	_ =	shalt  }
0x4b: {  	_ =	shalt  }
0x4c: {  	_ =	shalt  }
0x4d: {  	_ =	shalt  }
0x4e: {  	_ =	shalt  }
0x4f: {  	_ =	shalt  }
0x50: {  	_ =	shalt  }
0x51: {  	_ =	shalt  }
0x52: {  	_ =	shalt  }
0x53: {  	_ =	shalt  }
0x54: {  	_ =	shalt  }
0x55: {  	_ =	shalt  }
0x56: {  	_ =	shalt  }
0x57: {  	_ =	shalt  }
0x58: {  	_ =	shalt  }
0x59: {  	_ =	shalt  }
0x5a: {  	_ =	shalt  }
0x5b: {  	_ =	shalt  }
0x5c: {  	_ =	shalt  }
0x5d: {  	_ =	shalt  }
0x5e: {  	_ =	shalt  }
0x5f: {  	_ =	shalt  }
0x60: {  	_ =	shalt  }
0x61: {  	_ =	shalt  }
0x62: {  	_ =	shalt  }
0x63: {  	_ =	shalt  }
0x64: {  	_ =	shalt  }
0x65: {  	_ =	shalt  }
0x66: {  	_ =	shalt  }
0x67: {  	_ =	shalt  }
0x68: {  	_ =	shalt  }
0x69: {  	_ =	shalt  }
0x6a: {  	_ =	shalt  }
0x6b: {  	_ =	shalt  }
0x6c: {  	_ =	shalt  }
0x6d: {  	_ =	shalt  }
0x6e: {  	_ =	shalt  }
0x6f: {  	_ =	shalt  }
0x70: {  	_ =	shalt  }
0x71: {  	_ =	shalt  }
0x72: {  	_ =	shalt  }
0x73: {  	_ =	shalt  }
0x74: {  	_ =	shalt  }
0x75: {  	_ =	shalt  }
0x76: {  	_ =	shalt  }
0x77: {  	_ =	shalt  }
0x78: {  	_ =	shalt  }
0x79: {  	_ =	shalt  }
0x7a: {  	_ =	shalt  }
0x7b: {  	_ =	shalt  }
0x7c: {  	_ =	shalt  }
0x7d: {  	_ =	shalt  }
0x7e: {  	_ =	shalt  }
0x7f: {  	_ =	shalt  }
0x80: {  	_ =	shalt  }
0x81: {  	_ =	shalt  }
0x82: {  	_ =	shalt  }
0x83: {  	_ =	shalt  }
0x84: {  	_ =	shalt  }
0x85: {  	_ =	shalt  }
0x86: {  	_ =	shalt  }
0x87: {  	_ =	shalt  }
.Lfunc_end0:
.L_simem_size_0:
called_computation_lowered:
.L_overlay_start_0:
0x88: {  	s2 =	sld [smem:$0x3FD9]  }
0x89: {  	s3 =	sld [smem:$0x3FFE];
	_ =	sdelay $0x1  }
0x8a: {  	s1 =	srdreg.scid  }
0x8b: {  	s0 =	sand.u32 $0x1, s1  }
0x8c: {  	s17 =	sshll.u32 s0, $0xA;
	s2 =	sadd.s32 s3, s2  }
0x8d: {  	s2 =	sadd.s32 s2, s17  }
0x8e: {  	[smem:$0x3FC6] =	sst s2  }
0x8f: {  	_ = 	snop  }
0x90: {  	s2 =	sld [smem:$0x3FC9]  }
0x91: {  	s18 =	sld [smem:$0x3FC8];
	(tm) =	ssettm $0x1  }
0x92: {  	s4 =	sld [smem:$0x3FFB];
	_ =	sdelay $0x3  }
0x93: {  	_ =	strace s4  }
0x94: {  	s4 =	sld [smem:$0x3FFC];
	_ =	sdelay $0x3  }
0x95: {  	_ =	strace s4  }
0x96: {  	s4 =	sld [smem:$0x3FFD];
	_ =	sdelay $0x3  }
0x97: {  	_ =	strace s4  }
0x98: {  	_ =	strace $0x8FFFFFFF  }
0x99: {  	s19 =	sld [smem:$0x3FDB];
	_ =	sdelay $0x1  }
0x9a: {  	s5 =	simm.s32 $_scs_section_size  }
0x9b: {  	s6 =	simm.s32 $_size__tile_overlayer_lowered;
	s7 =	simm.s32 $_tile_overlayer_lowered  }
0x9c: {  	s22 =	simm.s32 $0x1BFF;
	s21 =	sshll.u32 s7, $0x1;
	s4 =	sadd.s32 s5, s19  }
0x9d: {  	s8 =	simm.s32 $0x0;
	s20 =	sshll.u32 s6, $0x1;
	s6 =	sadd.s32 s21, s4  }
0x9e: {  	[timem:s8], [sflag:s22] =	dma.local [hbm:s6], s20  }
0x9f: {  	_ =	swait.ge [sflag:s22], s20  }
0xa0: {  	s5 =	ssub.s32 $0x0, s20;
	[sflag:s22] =	ssyncset.done $0x0  }
0xa1: {  	[sflag:s22] =	ssyncadd.s32 s5;
	_ =	sdelay $0x1  }
0xa2: {  	s23 =	simm.s32 $0x1B8B  }
0xa3: {  	_ =	swait.ge [sflag:s23], $0x1  }
0xa4: {  	[sflag:s23] =	ssyncset.done $0x0  }
0xa5: {  	s25 =	simm.s32 $0x1B8E;
	s24 =	sld [smem:$0x3FFE];
	[sflag:s23] =	ssyncadd.s32 $0xFFFFFFFF  }
0xa6: {  	s26 =	simm.s32 $execute0_lowered;
	[smem:$0x3FD2] =	sst s25  }
0xa7: {  	s6 =	sshll.u32 s26, $0x1;
	_ =	strace $0x80000046;
	[dreg:$0x1] =	wrdreg $0xFFFFFFFF  }
0xa8: {  	s28 =	simm.s32 $_size_execute0_lowered;
	s4 =	sadd.s32 s4, s6;
	[dreg:$0x0] =	wrdreg $0x0  }
0xa9: {  	s6 =	sshll.u32 s28, $0x1;
	[dreg:$0x2] =	wrdreg s4  }
0xaa: {  	[dreg:$0x3] =	wrdreg s6  }
0xab: {  	[dreg:$0x4] =	wrdreg $0xC0  }
0xac: {  	_ =	task [dreg:s8], $0x5FFFF  }
0xad: {  	[dreg:$0x1] =	wrdreg $0xFFFFFFFF  }
0xae: {  	[dreg:$0x0] =	wrdreg $0x60  }
0xaf: {  	[dreg:$0x2] =	wrdreg s2  }
0xb0: {  	[dreg:$0x3] =	wrdreg s18  }
0xb1: {  	[dreg:$0x4] =	wrdreg s24  }
0xb2: {  	[dreg:$0x5] =	wrdreg $0x9  }
0xb3: {  	_ =	task.clear_ibuf [dreg:s8], $0x6FFFF;
	_ =	strace $0x90000046  }
0xb4: {  	s29 =	simm.s32 $0x9;
	_ =	strace $0x80000048  }
0xb5: {  	_ =	swait.ge [sflag:s29], $0x1  }
0xb6: {  	[sflag:s29] =	ssyncadd.s32 $0xFFFFFFFF  }
0xb7: {  	_ =	strace $0x90000048  }
0xb8: {  	_ =	sfence  }
0xb9: {  	s30 =	sld [smem:$0x0];
	_ =	sdelay $0x2  }
0xba: {  	s31 =	sshll.u32 s1, $0xD;
	s1 =	sshrl.u32 s1, $0x2  }
0xbb: {  	s3 =	sand.u32 $0x4000, s31;
	s1 =	sadd.s32 s1, s30  }
0xbc: {  	s0 =	sor.u32 s3, s0;
	s1 =	sshll.u32 s1, $0x11  }
0xbd: {  	s0 =	sor.u32 s1, s0  }
0xbe: {  	s0 =	sadd.s32 $0x8F2B, s0  }
0xbf: {  	[sflag:s0] =	ssyncadd.remote.s32 $0x1  }
0xc0: {  	_ =	sfence.sel $0xFFFF  }
0xc1: {  	[dreg:$0x0] =	wrdreg $0xFFFFFFFF;
	(pc) =	sbr.abs _section_cstart, $3  }
0xc2: {  	[dreg:$0x1] =	wrdreg $0xFFFFFFFF  }
0xc3: {  	_ =	task.clear_ibuf [dreg:s8], $0x2FFFF;
	_ =	strace $0x9FFFFFFF  }
0xc4: {  	(tm) =	ssettm $0x7FFFFFFF  }
0xc5: {  	_ =	shalt  }
tec
execute0_lowered:
.L_overlay_start_1:
0x0: {  	(tag) =	ssettag $0x1  }
0x1: {  	s1 =	rddreg [dreg:$0x0]  }
0x2: {  	s3 =	rddreg [dreg:$0x1]  }
0x3: {  	s0 =	rddreg [dreg:$0x2]  }
0x4: {  	s5 =	srdreg.scid;
	s2 =	stileid.u32  }
0x5: {  	s4 =	simm.s32 $0x0;
	s15 =	simm.s32 $0x2000;
	s16 =	simm.s32 $0x6000  }
0x6: {  	s17 =	simm.s32 $0x1;
	s18 =	simm.s32 $0x2;
	s19 =	simm.s32 $0x8000  }
0x7: {  	s20 =	simm.s32 $0x3;
	s21 =	simm.s32 $0x8080;
	s22 =	simm.s32 $0x0  }
0x8: {  	s5 =	sand.u32 $0x1, s5;
	s6 =	sshll.u32 s2, $0x1;
	[smem:$0x7FF] =	sst s4  }
0x9: {  	s7 =	ssub.s32 $0x2, s5;
	s8 =	sor.u32 s5, s6;
	_ =	strace $0x80000047  }
.Ltmp0:
0xa: {  	s31 =	sshrl.u32 s7, $0x1;
	s11 =	sshll.u32 s8, $0xE;
	(pc) =	sbr.rel .LBB2_1-.Ltmp0, $4  }
0xb: {  	s10 =	sshll.u32 s8, $0x4;
	s13 =	ssub.s32 s7, s31;
	s5 =	sadd.s32 s1, s11  }
0xc: {  	s9 =	sor.u32 $0x400, s11;
	s6 =	sadd.s32 s3, s11;
	s10 =	sadd.s32 s0, s10  }
0xd: {  	s7 =	sadd.s32 s1, s9;
	s8 =	sadd.s32 s3, s9;
	s9 =	sor.u32 $0x800, s11  }
0xe: {  	v0 =	vimm.f32 $0.0e+00;
	s11 =	sor.u32 $0xC00, s11;
	s12 =	sadd.s32 $0x200, s10;
	s13 =	smax.u32 s13, $0x1  }
.LBB2_8:
0xf: {  	[tilespmem:$0x8000] =	vst v1  }
0x10: {  	[tilespmem:$0x8080] =	vst v5  }
0x11: {  	[hbm4b:s12+s4] =	stream.linear.scatter [tilespmem:s19], [sflag:$0x3], $0x80, $0x38;
	[tilespmem:$0x8100] =	vst v63  }
0x12: {  	s22 =	sadd.s32 $0x1, s22;
	_ =	swait.ge [sflag:s20], $0x80  }
0x13: {  	p0 =	sne.s32 s22, s13;
	[sflag:s20] =	ssyncset.done $0x0  }
.Ltmp1:
0x14: {  	[sflag:s20] =	ssyncadd.s32 $0xFFFFFF80;
	(pc) =	sbr.rel @!p0 .LBB2_9-.Ltmp1, $4  }
0x15: {  	[hbm4b:s10+s4] =	stream.linear.scatter [tilespmem:s21], [sflag:$0x3], $0x80, $0x38;
	[tilespmem:$0x8100] =	vst v63  }
0x16: {  	_ =	swait.ge [sflag:s20], $0x80  }
0x17: {  	[sflag:s20] =	ssyncset.done $0x0  }
0x18: {  	[sflag:s20] =	ssyncadd.s32 $0xFFFFFF80  }
.LBB2_1:
0x19: {  	[tilespmem:s4], [sflag:$0x1] =	stream.linear.gather [hbm4b:s5+s4], $0x2000, $0x38;
	[tilespmem:$0x8100] =	vst v63  }
0x1a: {  	s0 =	simm.s32 $0x4000  }
0x1b: {  	[tilespmem:s0], [sflag:$0x1] =	stream.linear.gather [hbm4b:s6+s4], $0x2000, $0x38;
	[tilespmem:$0x8100] =	vst v63  }
0x1c: {  	_ = 	snop  }
0x1d: {  	[tilespmem:s15], [sflag:$0x2] =	stream.linear.gather [hbm4b:s7+s4], $0x2000, $0x38;
	[tilespmem:$0x8100] =	vst v63  }
0x1e: {  	s23 =	simm.s32 $0x0  }
0x1f: {  	v5 =	vimm.f32 $0.0e+00;
	v1 =	vimm.f32 $0.0e+00;
	[tilespmem:s16], [sflag:$0x2] =	stream.linear.gather [hbm4b:s8+s4], $0x2000, $0x38;
	[tilespmem:$0x8100] =	vst v63  }
.LBB2_2:
0x20: {  	_ =	swait.ge [sflag:s17], $0x2000;
	s0 =	simm.s32 $0x0  }
0x21: {  	s25 =	simm.s32 $0x0;
	s26 =	simm.s32 $0x0;
	[sflag:s17] =	ssyncset.done $0x0  }
0x22: {  	s24 =	sand.u32 $0x60, s0;
	s0 =	sand.u32 $0xC00, s0;
	[sflag:s17] =	ssyncadd.s32 $0xFFFFE000  }
0x23: {  	s25 =	sand.u32 $0x1000, s25;
	s0 =	sor.u32 s24, s0;
	_ =	swait.ge [sflag:s17], $0x2000  }
0x24: {  	s14 =	sand.u32 $0x380, s26;
	s0 =	sor.u32 s25, s0;
	[sflag:s17] =	ssyncset.done $0x0  }
0x25: {  	s25 =	sor.u32 s14, s0;
	[sflag:s17] =	ssyncadd.s32 $0xFFFFE000  }
0x26: {  	v6 =	vld [tilespmem:s25+$0x10]  }
0x27: {  	v2 =	vld [tilespmem:s25+$0x0];
	_ =	sdelay $0x3  }
0x28: {  	v7 =	vand.u32 $0x7FFFFFFF, v6  }
0x29: {  	v3 =	vand.u32 $0x7FFFFFFF, v2;
	v4 =	vsub.f32 $0.0e+00, v7  }
0x2a: {  	v8 =	vsub.f32 $0.0e+00, v3  }
0x2b: {  	v4 =	vmul.f32 $1.442695020e+00, v4  }
0x2c: {  	v8 =	vmul.f32 $1.442695020e+00, v8  }
0x2d: {  	(erf) = vpow2.f32 v4  }
0x2e: {  	(erf) = vpow2.f32 v8;
	_ =	sdelay $0x7  }
0x2f: {  	v11 =	vld [tilespmem:s25+$0x4000];
	v13 =	vpop (erf)  }
0x30: {  	v4 =	vmul.f32 $1.420172770e-02, v13;
	v14 =	vpop (erf)  }
0x31: {  	v8 =	vmul.f32 $1.420172770e-02, v14  }
0x32: {  	v9 =	vadd.f32 $1.000000000e+00, v14;
	v10 =	vadd.f32 $-6.658471380e-02, v4  }
0x33: {  	v8 =	vadd.f32 $-6.658471380e-02, v8  }
0x34: {  	s2 =	simm.s32 $0x100;
	s26 =	simm.s32 $0x20;
	(erf) = vrcp.f32 v9;
	v9 =	vadd.f32 v11, v11;
	v10 =	vmul.f32 v10, v13  }
0x35: {  	s24 =	sand.u32 $0xC00, s2;
	s0 =	sand.u32 $0x60, s26;
	s14 =	simm.s32 $0x20;
	vm0 =	vge.f32 v2, $0.0e+00;
	v12 =	vmul.f32 v11, v2;
	v2 =	vmax.f32 v2, $0.0e+00  }
0x36: {  	s28 =	simm.s32 $0x8;
	s26 =	sand.u32 $0x1000, s14;
	s0 =	sor.u32 s0, s24;
	v8 =	vmul.f32 v8, v14;
	v16 =	vsub.f32 $1.000000000e+00, v9;
	v9 =	vadd.f32 $1.494307070e-01, v10  }
0x37: {  	s2 =	sand.u32 $0x380, s28;
	s0 =	sor.u32 s26, s0;
	v19 =	vadd.f32 v11, v3;
	v17 =	vsub.f32 v2, v12  }
0x38: {  	s24 =	sor.u32 s2, s0;
	v2 =	vadd.f32 $1.494307070e-01, v8;
	v8 =	vmul.f32 $5.000000000e-01, v11;
	v9 =	vmul.f32 v9, v13  }
0x39: {  	v15 =	vmul.f32 $0.0e+00, v1;
	v20 =	vld [tilespmem:s24+$0x0];
	vm1 =	vlt.f32 v19, $0.0e+00;
	v12 =	vadd.f32 $1.000000000e+00, v13  }
0x3a: {  	v3 =	vld [tilespmem:s24+$0x10];
	v2 =	vmul.f32 v2, v14;
	v10 =	vsub.f32 $7.500000000e-01, v8;
	v8 =	vadd.f32 $-2.351464780e-01, v9  }
0x3b: {  	vm2 =	vgt.f32 v19, $0.0e+00;
	v18 =	vsel vm0, $0x3F800000, v14;
	(erf) = vrcp.f32 v12  }
0x3c: {  	vm0 =	vgt.f32 v11, $5.000000000e-01;
	v9 =	vadd.f32 $-2.351464780e-01, v2;
	v19 =	vmul.f32 v8, v13  }
0x3d: {  	vm1 =	vmor vm2, vm1;
	v4 =	vmul.f32 $0.0e+00, v5;
	v12 =	vsel vm0, $0x3F800000, v0  }
0x3e: {  	v21 =	vpop (erf);
	v8 =	vadd.f32 v12, v5;
	v12 =	vld [tilespmem:s25+$0x4010];
	v9 =	vmul.f32 v9, v14;
	v19 =	vadd.f32 $3.311199550e-01, v19  }
0x3f: {  	v5 =	vand.u32 $0x7FFFFFFF, v3;
	v18 =	vmul.f32 v21, v18;
	v21 =	vand.u32 $0x7FFFFFFF, v20  }
0x40: {  	v22 =	vsub.f32 $0.0e+00, v5;
	v9 =	vadd.f32 $3.311199550e-01, v9;
	v19 =	vmul.f32 v19, v13  }
0x41: {  	vm2 =	vge.f32 v6, $0.0e+00;
	vm0 =	vmmov vm1;
	v23 =	vsub.f32 $0.0e+00, v21  }
0x42: {  	v22 =	vmul.f32 $1.442695020e+00, v22;
	v25 =	vmul.f32 v9, v14;
	v9 =	vadd.f32 $-4.998718500e-01, v19  }
0x43: {  	vm1 =	vge.f32 v20, $0.0e+00;
	v23 =	vmul.f32 $1.442695020e+00, v23;
	v19 =	vadd.f32 v12, v12  }
0x44: {  	v2 =	vld [tilespmem:s24+$0x4000];
	v26 =	vpop (erf);
	(erf) = vpow2.f32 v22;
	v22 =	vsel vm2, $0x3F800000, v13;
	v27 =	vmul.f32 v9, v13  }
0x45: {  	v16 =	vmul.f32 v18, v16;
	v22 =	vmul.f32 v26, v22;
	v19 =	vsub.f32 $1.000000000e+00, v19  }
0x46: {  	v63 =	vmul.f32 v12, v6;
	(erf) = vpow2.f32 v23;
	v62 =	vadd.f32 $9.999987480e-01, v27  }
0x47: {  	v6 =	vmax.f32 v6, $0.0e+00;
	v23 =	vadd.f32 $-4.998718500e-01, v25;
	v19 =	vmul.f32 v22, v19  }
0x48: {  	v7 =	vadd.f32 v12, v7;
	v6 =	vsub.f32 v6, v63;
	v13 =	vmul.f32 v62, v13  }
0x49: {  	v24 =	vadd.f32 v2, v2;
	v22 =	vmul.f32 v23, v14;
	v18 =	vadd.f32 v19, v12  }
0x4a: {  	v11 =	vadd.f32 v16, v11;
	vm2 =	vlt.f32 v7, $0.0e+00;
	v13 =	vadd.f32 v13, v6  }
0x4b: {  	v23 =	vmul.f32 $5.000000000e-01, v12;
	v22 =	vadd.f32 $9.999987480e-01, v22;
	v18 =	vmul.f32 v18, v18  }
0x4c: {  	vm3 =	vgt.f32 v7, $0.0e+00;
	v19 =	vmax.f32 v20, $0.0e+00;
	v20 =	vmul.f32 v2, v20  }
0x4d: {  	v16 =	vsub.f32 $7.500000000e-01, v23;
	v14 =	vmul.f32 v22, v14;
	v18 =	vmul.f32 v13, v18  }
0x4e: {  	v9 =	vsub.f32 $1.000000000e+00, v24;
	v6 =	vsub.f32 v19, v20;
	v19 =	vmul.f32 v11, v11;
	v13 =	vpop (erf)  }
0x4f: {  	v14 =	vadd.f32 v14, v17;
	v16 =	vmul.f32 v18, v16;
	v17 =	vmul.f32 $1.420172770e-02, v13;
	v11 =	vpop (erf)  }
0x50: {  	vm2 =	vmor vm3, vm2;
	v7 =	vmul.f32 $1.420172770e-02, v11;
	v20 =	vadd.f32 $1.000000000e+00, v11  }
0x51: {  	v19 =	vmul.f32 v14, v19;
	v16 =	vnsel vm2, $0x0, v16;
	v22 =	vadd.f32 $-6.658471380e-02, v17  }
0x52: {  	v17 =	vadd.f32 v2, v21;
	v23 =	vadd.f32 $-6.658471380e-02, v7;
	(erf) = vrcp.f32 v20  }
0x53: {  	s29 =	simm.s32 $0x10;
	s26 =	simm.s32 $0x200;
	s25 =	simm.s32 $0x40;
	v7 =	vadd.f32 v16, v15;
	v15 =	vmul.f32 $5.000000000e-01, v2;
	v16 =	vmul.f32 v22, v13  }
0x54: {  	s28 =	simm.s32 $0x40;
	s31 =	sand.u32 $0xC00, s26;
	s14 =	sand.u32 $0x60, s25;
	v18 =	vsel vm1, $0x3F800000, v11;
	vm1 =	vgt.f32 v2, $5.000000000e-01;
	v20 =	vmul.f32 v23, v11  }
0x55: {  	s30 =	sand.u32 $0x1000, s28;
	s28 =	simm.s32 $0x3;
	s31 =	sor.u32 s14, s31;
	vm2 =	vlt.f32 v17, $0.0e+00;
	v15 =	vsub.f32 $7.500000000e-01, v15;
	v21 =	vadd.f32 $1.494307070e-01, v16  }
.LBB2_3:
0x56: {  	p0 =	sne.s32 s28, $0xFF;
	s0 =	sand.u32 $0x380, s29;
	s29 =	sor.u32 s30, s31;
	v14 =	vadd.f32 $1.494307070e-01, v20;
	vm3 =	vgt.f32 v17, $0.0e+00;
	v16 =	vmul.f32 v19, v10  }
0x57: {  	v19 =	vadd.f32 $1.000000000e+00, v13;
	s0 =	sor.u32 s0, s29;
	vm2 =	vmor vm3, vm2;
	v17 =	vmul.f32 v21, v13;
	v10 =	vmovc v15  }
0x58: {  	v15 =	vld [tilespmem:s0+$0x10];
	v14 =	vmul.f32 v14, v11;
	v16 =	vnsel vm0, $0x0, v16;
	vm0 =	vgt.f32 v12, $5.000000000e-01  }
0x59: {  	v12 =	vsel vm1, $0x3F800000, v0;
	v20 =	vld [tilespmem:s0+$0x0];
	v22 =	vadd.f32 $-2.351464780e-01, v17;
	(erf) = vrcp.f32 v19  }
0x5a: {  	v21 =	vsel vm0, $0x3F800000, v0;
	v1 =	vadd.f32 v16, v1;
	v19 =	vld [tilespmem:s0+$0x4000];
	v14 =	vadd.f32 $-2.351464780e-01, v14  }
0x5b: {  	v8 =	vadd.f32 v12, v8;
	v4 =	vadd.f32 v21, v4;
	v16 =	vmul.f32 v22, v13;
	v17 =	vpop (erf)  }
0x5c: {  	vm0 =	vmmov vm2;
	v12 =	vld [tilespmem:s24+$0x4010];
	v14 =	vmul.f32 v14, v11;
	v17 =	vmul.f32 v17, v18;
	s24 =	smov.u32 s0  }
0x5d: {  	v18 =	vand.u32 $0x7FFFFFFF, v15;
	v16 =	vadd.f32 $3.311199550e-01, v16  }
0x5e: {  	v21 =	vand.u32 $0x7FFFFFFF, v20;
	v22 =	vsub.f32 $0.0e+00, v18;
	v14 =	vadd.f32 $3.311199550e-01, v14  }
0x5f: {  	vm1 =	vge.f32 v20, $0.0e+00;
	v23 =	vsub.f32 $0.0e+00, v21;
	v16 =	vmul.f32 v16, v13  }
0x60: {  	v24 =	vadd.f32 v19, v19;
	v22 =	vmul.f32 $1.442695020e+00, v22;
	v14 =	vmul.f32 v14, v11  }
0x61: {  	vm2 =	vge.f32 v3, $0.0e+00;
	v16 =	vadd.f32 $-4.998718500e-01, v16;
	v25 =	vadd.f32 v12, v12  }
0x62: {  	v23 =	vmul.f32 $1.442695020e+00, v23;
	(erf) = vpow2.f32 v22;
	v22 =	vsel vm2, $0x3F800000, v13;
	v26 =	vpop (erf)  }
0x63: {  	v16 =	vmul.f32 v16, v13;
	v22 =	vmul.f32 v26, v22;
	v25 =	vsub.f32 $1.000000000e+00, v25  }
0x64: {  	v24 =	vsub.f32 $1.000000000e+00, v24;
	v14 =	vadd.f32 $-4.998718500e-01, v14;
	(erf) = vpow2.f32 v23  }
0x65: {  	v23 =	vmul.f32 v12, v3;
	v16 =	vadd.f32 $9.999987480e-01, v16;
	v22 =	vmul.f32 v22, v25  }
0x66: {  	v17 =	vmul.f32 v17, v9;
	v9 =	vmovc v24;
	v14 =	vmul.f32 v14, v11;
	v25 =	vmax.f32 v3, $0.0e+00;
	v3 =	vmovc v15  }
0x67: {  	v15 =	vsub.f32 v25, v23;
	v13 =	vmul.f32 v16, v13;
	v16 =	vadd.f32 v22, v12  }
0x68: {  	v14 =	vadd.f32 $9.999987480e-01, v14;
	v22 =	vmax.f32 v20, $0.0e+00;
	v20 =	vmul.f32 v19, v20  }
0x69: {  	v23 =	vmul.f32 $5.000000000e-01, v12;
	v15 =	vadd.f32 v13, v15;
	v16 =	vmul.f32 v16, v16  }
0x6a: {  	v24 =	vmul.f32 v14, v11;
	v14 =	vadd.f32 v17, v2;
	v17 =	vadd.f32 v12, v5;
	v2 =	vmovc v19  }
0x6b: {  	v19 =	vsub.f32 v22, v20;
	v20 =	vsub.f32 $7.500000000e-01, v23;
	v13 =	vpop (erf);
	v15 =	vmul.f32 v15, v16  }
0x6c: {  	v5 =	vmovc v18;
	v14 =	vmul.f32 v14, v14;
	vm2 =	vlt.f32 v17, $0.0e+00;
	v16 =	vadd.f32 v24, v6  }
0x6d: {  	vm3 =	vgt.f32 v17, $0.0e+00;
	v22 =	vmul.f32 $1.420172770e-02, v13;
	v11 =	vpop (erf);
	v15 =	vmul.f32 v15, v20  }
0x6e: {  	vm2 =	vmor vm3, vm2;
	v6 =	vmovc v19;
	v17 =	vmul.f32 $1.420172770e-02, v11;
	v20 =	vadd.f32 $1.000000000e+00, v11  }
.Ltmp2:
0x6f: {  	v18 =	vsel vm1, $0x3F800000, v11;
	v19 =	vadd.f32 $-6.658471380e-02, v22;
	v15 =	vnsel vm2, $0x0, v15;
	(pc) =	sbr.rel @p0 .LBB2_3-.Ltmp2, $4  }
0x70: {  	v22 =	vadd.f32 $-6.658471380e-02, v17;
	(erf) = vrcp.f32 v20;
	v7 =	vadd.f32 v15, v7  }
0x71: {  	s25 =	sadd.s32 $0x20, s25;
	s26 =	sadd.s32 $0x100, s26;
	s29 =	sshll.u32 s28, $0x3;
	v15 =	vmul.f32 $5.000000000e-01, v2;
	v17 =	vadd.f32 v2, v21;
	v21 =	vmul.f32 v19, v13  }
0x72: {  	s30 =	sshll.u32 s28, $0x5;
	s31 =	sand.u32 $0xC00, s26;
	s0 =	sand.u32 $0x60, s25;
	vm1 =	vgt.f32 v2, $5.000000000e-01;
	v19 =	vmul.f32 v16, v14;
	v20 =	vmul.f32 v22, v11  }
0x73: {  	s30 =	sand.u32 $0x1000, s30;
	s28 =	sadd.s32 $0x1, s28;
	s31 =	sor.u32 s0, s31;
	v15 =	vsub.f32 $7.500000000e-01, v15;
	vm2 =	vlt.f32 v17, $0.0e+00;
	v21 =	vadd.f32 $1.494307070e-01, v21  }
0x74: {  	s0 =	sand.u32 $0x380, s29;
	s25 =	sor.u32 s30, s31  }
0x75: {  	s25 =	sor.u32 s0, s25  }
0x76: {  	v16 =	vld [tilespmem:s25+$0x10]  }
0x77: {  	v22 =	vld [tilespmem:s25+$0x0];
	_ =	sdelay $0x3  }
0x78: {  	v25 =	vadd.f32 $1.000000000e+00, v13;
	v14 =	vand.u32 $0x7FFFFFFF, v16  }
0x79: {  	v20 =	vadd.f32 $1.494307070e-01, v20;
	v23 =	vand.u32 $0x7FFFFFFF, v22;
	v24 =	vsub.f32 $0.0e+00, v14  }
0x7a: {  	v10 =	vmul.f32 v19, v10;
	v21 =	vmul.f32 v21, v13;
	v26 =	vsub.f32 $0.0e+00, v23  }
0x7b: {  	vm3 =	vgt.f32 v17, $0.0e+00;
	(erf) = vrcp.f32 v25;
	v24 =	vmul.f32 $1.442695020e+00, v24  }
0x7c: {  	vm2 =	vmor vm3, vm2;
	v20 =	vmul.f32 v20, v11;
	v51 =	vmul.f32 $1.442695020e+00, v26  }
0x7d: {  	v17 =	vld [tilespmem:s24+$0x4010];
	v10 =	vnsel vm0, $0x0, v10;
	v19 =	vadd.f32 $-2.351464780e-01, v21;
	(erf) = vpow2.f32 v24  }
0x7e: {  	vm0 =	vgt.f32 v12, $5.000000000e-01;
	v10 =	vadd.f32 v10, v1;
	(erf) = vpow2.f32 v51  }
0x7f: {  	v52 =	vsel vm0, $0x3F800000, v0;
	vm0 =	vmmov vm2;
	v12 =	vmul.f32 v19, v13  }
0x80: {  	v20 =	vadd.f32 $-2.351464780e-01, v20;
	v4 =	vadd.f32 v52, v4;
	v19 =	vsel vm1, $0x3F800000, v0  }
0x81: {  	vm1 =	vge.f32 v3, $0.0e+00;
	v1 =	vadd.f32 v19, v8;
	v8 =	vadd.f32 $3.311199550e-01, v12  }
0x82: {  	v21 =	vpop (erf);
	v57 =	vmul.f32 v17, v3;
	v3 =	vmax.f32 v3, $0.0e+00;
	v12 =	vmul.f32 v20, v11  }
0x83: {  	v5 =	vadd.f32 v17, v5;
	v18 =	vmul.f32 v21, v18;
	v20 =	vmul.f32 v8, v13  }
0x84: {  	v21 =	vadd.f32 v17, v17;
	v53 =	vsel vm1, $0x3F800000, v13;
	v12 =	vadd.f32 $3.311199550e-01, v12  }
0x85: {  	vm1 =	vge.f32 v22, $0.0e+00;
	v3 =	vsub.f32 v3, v57;
	v19 =	vpop (erf);
	v20 =	vadd.f32 $-4.998718500e-01, v20  }
0x86: {  	v21 =	vsub.f32 $1.000000000e+00, v21;
	v12 =	vmul.f32 v12, v11;
	v19 =	vmul.f32 v19, v53;
	v54 =	vpop (erf)  }
0x87: {  	vm2 =	vlt.f32 v5, $0.0e+00;
	v9 =	vmul.f32 v18, v9;
	v20 =	vmul.f32 v20, v13;
	v55 =	vpop (erf)  }
0x88: {  	v12 =	vadd.f32 $-4.998718500e-01, v12;
	v19 =	vmul.f32 v19, v21;
	v56 =	vadd.f32 $1.000000000e+00, v55  }
0x89: {  	v18 =	vadd.f32 $9.999987480e-01, v20;
	v21 =	vadd.f32 $1.000000000e+00, v54;
	v20 =	vmul.f32 $1.420172770e-02, v54  }
0x8a: {  	vm3 =	vgt.f32 v5, $0.0e+00;
	v12 =	vmul.f32 v12, v11;
	(erf) = vrcp.f32 v56  }
0x8b: {  	v13 =	vmul.f32 v18, v13;
	v18 =	vadd.f32 $-6.658471380e-02, v20;
	(erf) = vrcp.f32 v21  }
0x8c: {  	v19 =	vadd.f32 v19, v17;
	v12 =	vadd.f32 $9.999987480e-01, v12;
	v58 =	vmul.f32 $1.420172770e-02, v55  }
0x8d: {  	vm2 =	vmor vm3, vm2;
	v2 =	vadd.f32 v9, v2;
	v18 =	vmul.f32 v18, v54  }
0x8e: {  	v8 =	vld [tilespmem:s25+$0x4000];
	v19 =	vmul.f32 v19, v19;
	v11 =	vmul.f32 v12, v11;
	v12 =	vadd.f32 $-6.658471380e-02, v58  }
0x8f: {  	s24 =	sshll.u32 s23, $0xB;
	p0 =	seq.s32 s23, $0x7;
	v59 =	vld [tilespmem:s25+$0x4010];
	v3 =	vadd.f32 v13, v3;
	v13 =	vmul.f32 $5.000000000e-01, v17;
	v18 =	vadd.f32 $1.494307070e-01, v18  }
0x90: {  	s0 =	sadd.s32 @!p0 s24, s9;
	v2 =	vmul.f32 v2, v2;
	v6 =	vadd.f32 v11, v6;
	v12 =	vmul.f32 v12, v55  }
0x91: {  	s26 =	simm.s32 @!p0 $0x0;
	s25 =	sadd.s32 @!p0 s1, s0;
	v13 =	vsub.f32 $7.500000000e-01, v13;
	v3 =	vmul.f32 v3, v19;
	v18 =	vmul.f32 v18, v54  }
0x92: {  	[tilespmem:s26], [sflag:$0x1] =	stream.linear.gather @!p0 [hbm4b:s25+s26], $0x2000, $0x38;
	v19 =	vmax.f32 v22, $0.0e+00;
	v2 =	vmul.f32 v6, v2;
	v5 =	vadd.f32 $1.494307070e-01, v12;
	[tilespmem:$0x8100] =	vst v63  }
0x93: {  	s0 =	sadd.s32 @!p0 s3, s0;
	s25 =	simm.s32 @!p0 $0x4000;
	v3 =	vmul.f32 v3, v13;
	v20 =	vmul.f32 v8, v22;
	v12 =	vadd.f32 $-2.351464780e-01, v18;
	v22 =	vpop (erf)  }
0x94: {  	[tilespmem:s25], [sflag:$0x1] =	stream.linear.gather @!p0 [hbm4b:s0+s26], $0x2000, $0x38;
	v2 =	vmul.f32 v2, v15;
	v15 =	vadd.f32 v59, v59;
	v5 =	vmul.f32 v5, v55;
	v9 =	vpop (erf);
	[tilespmem:$0x8100] =	vst v63  }
0x95: {  	s2 =	simm.s32 $0x0;
	v21 =	vadd.f32 v8, v8;
	v18 =	vsub.f32 v19, v20;
	v12 =	vmul.f32 v12, v54;
	_ =	swait.ge [sflag:s18], $0x2000  }
0x96: {  	s28 =	simm.s32 $0x0;
	s26 =	simm.s32 $0x0;
	v3 =	vnsel vm2, $0x0, v3;
	v19 =	vadd.f32 v8, v23;
	v5 =	vadd.f32 $-2.351464780e-01, v5;
	[sflag:s18] =	ssyncset.done $0x0  }
0x97: {  	s14 =	sand.u32 $0x60, s26;
	s0 =	sand.u32 $0xC00, s26;
	v3 =	vadd.f32 v3, v7;
	v7 =	vsel vm1, $0x3F800000, v55;
	v11 =	vadd.f32 $3.311199550e-01, v12;
	[sflag:s18] =	ssyncadd.s32 $0xFFFFE000  }
0x98: {  	s26 =	sand.u32 $0x1000, s2;
	s0 =	sor.u32 s14, s0;
	vm1 =	vgt.f32 v8, $5.000000000e-01;
	vm2 =	vlt.f32 v19, $0.0e+00;
	v5 =	vmul.f32 v5, v55;
	_ =	swait.ge [sflag:s18], $0x2000  }
0x99: {  	s14 =	sand.u32 $0x380, s28;
	s0 =	sor.u32 s26, s0;
	vm3 =	vgt.f32 v19, $0.0e+00;
	v12 =	vmul.f32 $5.000000000e-01, v8;
	v6 =	vmul.f32 v11, v54;
	[sflag:s18] =	ssyncset.done $0x0  }
0x9a: {  	s26 =	sor.u32 s14, s0;
	v13 =	vsub.f32 $1.000000000e+00, v21;
	vm2 =	vmor vm3, vm2;
	v5 =	vadd.f32 $3.311199550e-01, v5;
	[sflag:s18] =	ssyncadd.s32 $0xFFFFE000  }
0x9b: {  	vm3 =	vge.f32 v16, $0.0e+00;
	v11 =	vsub.f32 $7.500000000e-01, v12;
	v12 =	vadd.f32 $-4.998718500e-01, v6;
	v6 =	vld [tilespmem:s26+$0x2010]  }
0x9c: {  	v7 =	vmul.f32 v22, v7;
	v20 =	vsel vm3, $0x3F800000, v54;
	v5 =	vmul.f32 v5, v55;
	v19 =	vld [tilespmem:s26+$0x2000]  }
0x9d: {  	v2 =	vnsel vm0, $0x0, v2;
	v15 =	vsub.f32 $1.000000000e+00, v15;
	v9 =	vmul.f32 v9, v20  }
0x9e: {  	v20 =	vmul.f32 v59, v16;
	v7 =	vmul.f32 v7, v13;
	v5 =	vadd.f32 $-4.998718500e-01, v5  }
0x9f: {  	v13 =	vmax.f32 v16, $0.0e+00;
	v15 =	vmul.f32 v9, v15;
	v12 =	vmul.f32 v12, v54  }
0xa0: {  	v7 =	vadd.f32 v7, v8;
	v5 =	vmul.f32 v5, v55;
	v9 =	vand.u32 $0x7FFFFFFF, v6  }
0xa1: {  	v12 =	vadd.f32 $9.999987480e-01, v12;
	v21 =	vand.u32 $0x7FFFFFFF, v19;
	v22 =	vsub.f32 $0.0e+00, v9  }
0xa2: {  	v7 =	vmul.f32 v7, v7;
	v5 =	vadd.f32 $9.999987480e-01, v5;
	v16 =	vsub.f32 $0.0e+00, v21  }
0xa3: {  	v13 =	vsub.f32 v13, v20;
	v12 =	vmul.f32 v12, v54;
	v22 =	vmul.f32 $1.442695020e+00, v22  }
0xa4: {  	v15 =	vadd.f32 v15, v59;
	v5 =	vmul.f32 v5, v55;
	v16 =	vmul.f32 $1.442695020e+00, v16  }
0xa5: {  	v8 =	vadd.f32 v12, v13;
	v12 =	vmul.f32 $5.000000000e-01, v59;
	(erf) = vpow2.f32 v22  }
0xa6: {  	v13 =	vmul.f32 v15, v15;
	v5 =	vadd.f32 v5, v18;
	(erf) = vpow2.f32 v16  }
0xa7: {  	v14 =	vadd.f32 v59, v14;
	vm0 =	vgt.f32 v17, $5.000000000e-01;
	v2 =	vadd.f32 v2, v10  }
0xa8: {  	v12 =	vsub.f32 $7.500000000e-01, v12;
	v8 =	vmul.f32 v8, v13;
	v5 =	vmul.f32 v5, v7  }
0xa9: {  	v15 =	vsel vm1, $0x3F800000, v0;
	vm1 =	vgt.f32 v14, $0.0e+00;
	v7 =	vsel vm0, $0x3F800000, v0  }
0xaa: {  	vm0 =	vlt.f32 v14, $0.0e+00;
	v8 =	vmul.f32 v8, v12;
	v5 =	vmul.f32 v5, v11  }
0xab: {  	vm2 =	vmmov vm2;
	v4 =	vadd.f32 v7, v4;
	vm0 =	vmor vm1, vm0  }
0xac: {  	v7 =	vnsel vm0, $0x0, v8;
	vm0 =	vgt.f32 v59, $5.000000000e-01;
	v5 =	vnsel vm2, $0x0, v5  }
0xad: {  	v3 =	vadd.f32 v7, v3;
	v7 =	vsel vm0, $0x3F800000, v0;
	v2 =	vadd.f32 v5, v2  }
0xae: {  	v12 =	vld [tilespmem:s26+$0x6000];
	v5 =	vadd.f32 v15, v1;
	v4 =	vadd.f32 v7, v4;
	v13 =	vpop (erf)  }
0xaf: {  	v7 =	vmul.f32 $1.420172770e-02, v13;
	v14 =	vpop (erf)  }
0xb0: {  	v1 =	vadd.f32 v3, v2;
	v5 =	vadd.f32 v4, v5;
	v2 =	vmul.f32 $1.420172770e-02, v14  }
0xb1: {  	v3 =	vadd.f32 $1.000000000e+00, v14;
	v4 =	vadd.f32 $-6.658471380e-02, v7  }
0xb2: {  	v7 =	vadd.f32 $-6.658471380e-02, v2  }
0xb3: {  	(erf) = vrcp.f32 v3;
	v3 =	vadd.f32 v12, v12;
	v4 =	vmul.f32 v4, v13  }
0xb4: {  	s2 =	simm.s32 $0x20;
	s14 =	simm.s32 $0x100;
	v8 =	vmul.f32 v12, v19;
	v7 =	vmul.f32 v7, v14  }
0xb5: {  	s28 =	simm.s32 $0x20;
	s0 =	sand.u32 $0x60, s2;
	s25 =	sand.u32 $0xC00, s14;
	v16 =	vsub.f32 $1.000000000e+00, v3;
	v3 =	vmax.f32 v19, $0.0e+00;
	v4 =	vadd.f32 $1.494307070e-01, v4  }
0xb6: {  	s29 =	simm.s32 $0x8;
	s28 =	sand.u32 $0x1000, s28;
	s0 =	sor.u32 s0, s25;
	vm0 =	vge.f32 v19, $0.0e+00;
	v18 =	vadd.f32 $1.000000000e+00, v13;
	v17 =	vsub.f32 v3, v8  }
0xb7: {  	s2 =	sand.u32 $0x380, s29;
	s0 =	sor.u32 s28, s0;
	v3 =	vadd.f32 $1.494307070e-01, v7;
	v7 =	vmul.f32 $5.000000000e-01, v12;
	v11 =	vmul.f32 v4, v13  }
0xb8: {  	s25 =	sor.u32 s2, s0;
	v15 =	vmul.f32 $0.0e+00, v1;
	v2 =	vmul.f32 $0.0e+00, v5;
	v19 =	vadd.f32 v12, v21  }
0xb9: {  	(erf) = vrcp.f32 v18;
	v4 =	vld [tilespmem:s25+$0x2010];
	v10 =	vsub.f32 $7.500000000e-01, v7;
	v7 =	vadd.f32 $-2.351464780e-01, v11  }
0xba: {  	v20 =	vld [tilespmem:s25+$0x2000];
	v8 =	vsel vm0, $0x3F800000, v14;
	vm0 =	vgt.f32 v12, $5.000000000e-01;
	v3 =	vmul.f32 v3, v14  }
0xbb: {  	vm1 =	vlt.f32 v19, $0.0e+00;
	vm2 =	vgt.f32 v19, $0.0e+00;
	v19 =	vmul.f32 v7, v13  }
0xbc: {  	vm1 =	vmor vm2, vm1;
	v11 =	vsel vm0, $0x3F800000, v0;
	v18 =	vadd.f32 $-2.351464780e-01, v3;
	v21 =	vpop (erf)  }
0xbd: {  	v7 =	vadd.f32 v11, v5;
	v11 =	vld [tilespmem:s26+$0x6010];
	v21 =	vmul.f32 v21, v8;
	v8 =	vadd.f32 $3.311199550e-01, v19  }
0xbe: {  	vm2 =	vge.f32 v6, $0.0e+00;
	v18 =	vmul.f32 v18, v14;
	v5 =	vand.u32 $0x7FFFFFFF, v4  }
0xbf: {  	v19 =	vand.u32 $0x7FFFFFFF, v20;
	v22 =	vsub.f32 $0.0e+00, v5;
	v8 =	vmul.f32 v8, v13  }
0xc0: {  	vm0 =	vmmov vm1;
	vm1 =	vge.f32 v20, $0.0e+00;
	v23 =	vsub.f32 $0.0e+00, v19  }
0xc1: {  	v18 =	vadd.f32 $3.311199550e-01, v18;
	v22 =	vmul.f32 $1.442695020e+00, v22;
	v8 =	vadd.f32 $-4.998718500e-01, v8  }
0xc2: {  	v16 =	vmul.f32 v21, v16;
	v61 =	vadd.f32 v11, v11;
	v23 =	vmul.f32 $1.442695020e+00, v23  }
0xc3: {  	v62 =	vpop (erf);
	(erf) = vpow2.f32 v22;
	v22 =	vsel vm2, $0x3F800000, v13;
	v27 =	vmul.f32 v8, v13  }
0xc4: {  	v3 =	vld [tilespmem:s25+$0x6000];
	v18 =	vmul.f32 v18, v14;
	v22 =	vmul.f32 v62, v22;
	v25 =	vsub.f32 $1.000000000e+00, v61  }
0xc5: {  	v63 =	vmul.f32 v11, v6;
	(erf) = vpow2.f32 v23;
	v23 =	vadd.f32 $9.999987480e-01, v27  }
0xc6: {  	v6 =	vmax.f32 v6, $0.0e+00;
	v18 =	vadd.f32 $-4.998718500e-01, v18;
	v22 =	vmul.f32 v22, v25  }
0xc7: {  	v12 =	vadd.f32 v16, v12;
	v6 =	vsub.f32 v6, v63;
	v13 =	vmul.f32 v23, v13  }
0xc8: {  	v16 =	vadd.f32 v11, v9;
	v18 =	vmul.f32 v18, v14;
	v21 =	vadd.f32 v22, v11  }
0xc9: {  	v60 =	vadd.f32 v3, v3;
	v6 =	vadd.f32 v13, v6;
	v13 =	vmul.f32 $5.000000000e-01, v11  }
0xca: {  	vm2 =	vlt.f32 v16, $0.0e+00;
	v18 =	vadd.f32 $9.999987480e-01, v18;
	v21 =	vmul.f32 v21, v21  }
0xcb: {  	vm3 =	vgt.f32 v16, $0.0e+00;
	v22 =	vmax.f32 v20, $0.0e+00;
	v20 =	vmul.f32 v3, v20  }
0xcc: {  	v14 =	vmul.f32 v18, v14;
	v18 =	vsub.f32 $7.500000000e-01, v13;
	v6 =	vmul.f32 v6, v21  }
0xcd: {  	v8 =	vsub.f32 $1.000000000e+00, v60;
	v9 =	vsub.f32 v22, v20;
	v20 =	vmul.f32 v12, v12;
	v13 =	vpop (erf)  }
0xce: {  	v14 =	vadd.f32 v14, v17;
	v6 =	vmul.f32 v6, v18;
	v17 =	vmul.f32 $1.420172770e-02, v13;
	v12 =	vpop (erf)  }
0xcf: {  	vm2 =	vmor vm3, vm2;
	v18 =	vmul.f32 $1.420172770e-02, v12;
	v21 =	vadd.f32 $1.000000000e+00, v12  }
0xd0: {  	v16 =	vsel vm1, $0x3F800000, v12;
	v6 =	vnsel vm2, $0x0, v6;
	v22 =	vadd.f32 $-6.658471380e-02, v17  }
0xd1: {  	v6 =	vadd.f32 v6, v15;
	v18 =	vadd.f32 $-6.658471380e-02, v18;
	(erf) = vrcp.f32 v21  }
0xd2: {  	s30 =	simm.s32 $0x10;
	s28 =	simm.s32 $0x200;
	s26 =	simm.s32 $0x40;
	v15 =	vmul.f32 $5.000000000e-01, v3;
	v17 =	vadd.f32 v3, v19;
	v21 =	vmul.f32 v22, v13  }
0xd3: {  	s29 =	simm.s32 $0x40;
	s2 =	sand.u32 $0xC00, s28;
	s14 =	sand.u32 $0x60, s26;
	vm1 =	vgt.f32 v3, $5.000000000e-01;
	v19 =	vmul.f32 v14, v20;
	v18 =	vmul.f32 v18, v12  }
0xd4: {  	s31 =	sand.u32 $0x1000, s29;
	s29 =	simm.s32 $0x3;
	s0 =	sor.u32 s14, s2;
	v14 =	vsub.f32 $7.500000000e-01, v15;
	vm2 =	vlt.f32 v17, $0.0e+00;
	v20 =	vadd.f32 $1.494307070e-01, v21  }
.LBB2_5:
0xd5: {  	p1 =	sne.s32 s29, $0xFF;
	s2 =	sand.u32 $0x380, s30;
	s0 =	sor.u32 s31, s0;
	v15 =	vadd.f32 $1.494307070e-01, v18;
	vm3 =	vgt.f32 v17, $0.0e+00;
	v17 =	vmul.f32 v19, v10  }
0xd6: {  	v19 =	vadd.f32 $1.000000000e+00, v13;
	s0 =	sor.u32 s2, s0;
	vm2 =	vmor vm3, vm2;
	v18 =	vmul.f32 v20, v13;
	v10 =	vmovc v14  }
0xd7: {  	v14 =	vld [tilespmem:s0+$0x2010];
	v15 =	vmul.f32 v15, v12;
	v17 =	vnsel vm0, $0x0, v17;
	vm0 =	vgt.f32 v11, $5.000000000e-01  }
0xd8: {  	v11 =	vsel vm1, $0x3F800000, v0;
	v20 =	vld [tilespmem:s0+$0x2000];
	v22 =	vadd.f32 $-2.351464780e-01, v18;
	(erf) = vrcp.f32 v19  }
0xd9: {  	v21 =	vsel vm0, $0x3F800000, v0;
	v1 =	vadd.f32 v17, v1;
	v19 =	vld [tilespmem:s0+$0x6000];
	v15 =	vadd.f32 $-2.351464780e-01, v15  }
0xda: {  	v7 =	vadd.f32 v11, v7;
	v2 =	vadd.f32 v21, v2;
	v17 =	vmul.f32 v22, v13;
	v18 =	vpop (erf)  }
0xdb: {  	vm0 =	vmmov vm2;
	v11 =	vld [tilespmem:s25+$0x6010];
	v15 =	vmul.f32 v15, v12;
	v16 =	vmul.f32 v18, v16;
	s25 =	smov.u32 s0  }
0xdc: {  	v18 =	vand.u32 $0x7FFFFFFF, v14;
	v17 =	vadd.f32 $3.311199550e-01, v17  }
0xdd: {  	v21 =	vand.u32 $0x7FFFFFFF, v20;
	v22 =	vsub.f32 $0.0e+00, v18;
	v15 =	vadd.f32 $3.311199550e-01, v15  }
0xde: {  	vm1 =	vge.f32 v20, $0.0e+00;
	v23 =	vsub.f32 $0.0e+00, v21;
	v17 =	vmul.f32 v17, v13  }
0xdf: {  	v24 =	vadd.f32 v19, v19;
	v22 =	vmul.f32 $1.442695020e+00, v22;
	v15 =	vmul.f32 v15, v12  }
0xe0: {  	vm2 =	vge.f32 v4, $0.0e+00;
	v17 =	vadd.f32 $-4.998718500e-01, v17;
	v25 =	vadd.f32 v11, v11  }
0xe1: {  	v23 =	vmul.f32 $1.442695020e+00, v23;
	(erf) = vpow2.f32 v22;
	v22 =	vsel vm2, $0x3F800000, v13;
	v26 =	vpop (erf)  }
0xe2: {  	v17 =	vmul.f32 v17, v13;
	v22 =	vmul.f32 v26, v22;
	v25 =	vsub.f32 $1.000000000e+00, v25  }
0xe3: {  	v24 =	vsub.f32 $1.000000000e+00, v24;
	v15 =	vadd.f32 $-4.998718500e-01, v15;
	(erf) = vpow2.f32 v23  }
0xe4: {  	v23 =	vmul.f32 v11, v4;
	v17 =	vadd.f32 $9.999987480e-01, v17;
	v22 =	vmul.f32 v22, v25  }
0xe5: {  	v16 =	vmul.f32 v16, v8;
	v8 =	vmovc v24;
	v15 =	vmul.f32 v15, v12;
	v25 =	vmax.f32 v4, $0.0e+00;
	v4 =	vmovc v14  }
0xe6: {  	v14 =	vsub.f32 v25, v23;
	v13 =	vmul.f32 v17, v13;
	v17 =	vadd.f32 v22, v11  }
0xe7: {  	v15 =	vadd.f32 $9.999987480e-01, v15;
	v22 =	vmax.f32 v20, $0.0e+00;
	v20 =	vmul.f32 v19, v20  }
0xe8: {  	v23 =	vmul.f32 $5.000000000e-01, v11;
	v14 =	vadd.f32 v13, v14;
	v17 =	vmul.f32 v17, v17  }
0xe9: {  	v24 =	vmul.f32 v15, v12;
	v15 =	vadd.f32 v16, v3;
	v16 =	vadd.f32 v11, v5;
	v3 =	vmovc v19  }
0xea: {  	v19 =	vsub.f32 v22, v20;
	v20 =	vsub.f32 $7.500000000e-01, v23;
	v13 =	vpop (erf);
	v14 =	vmul.f32 v14, v17  }
0xeb: {  	v5 =	vmovc v18;
	v22 =	vadd.f32 v24, v9;
	v15 =	vmul.f32 v15, v15;
	vm2 =	vlt.f32 v16, $0.0e+00  }
0xec: {  	vm3 =	vgt.f32 v16, $0.0e+00;
	v17 =	vmul.f32 $1.420172770e-02, v13;
	v12 =	vpop (erf);
	v14 =	vmul.f32 v14, v20  }
0xed: {  	vm2 =	vmor vm3, vm2;
	v9 =	vmovc v19;
	v18 =	vmul.f32 $1.420172770e-02, v12;
	v20 =	vadd.f32 $1.000000000e+00, v12  }
.Ltmp3:
0xee: {  	v16 =	vsel vm1, $0x3F800000, v12;
	v19 =	vadd.f32 $-6.658471380e-02, v17;
	v14 =	vnsel vm2, $0x0, v14;
	(pc) =	sbr.rel @p1 .LBB2_5-.Ltmp3, $4  }
0xef: {  	v18 =	vadd.f32 $-6.658471380e-02, v18;
	(erf) = vrcp.f32 v20;
	v6 =	vadd.f32 v14, v6  }
0xf0: {  	s30 =	sshll.u32 s29, $0x3;
	s26 =	sadd.s32 $0x20, s26;
	s28 =	sadd.s32 $0x100, s28;
	v17 =	vadd.f32 v3, v21;
	v14 =	vmul.f32 $5.000000000e-01, v3;
	v20 =	vmul.f32 v19, v13  }
0xf1: {  	s2 =	sshll.u32 s29, $0x5;
	s14 =	sand.u32 $0xC00, s28;
	s0 =	sand.u32 $0x60, s26;
	vm1 =	vgt.f32 v3, $5.000000000e-01;
	v19 =	vmul.f32 v22, v15;
	v18 =	vmul.f32 v18, v12  }
0xf2: {  	s29 =	sadd.s32 $0x1, s29;
	s31 =	sand.u32 $0x1000, s2;
	s0 =	sor.u32 s0, s14;
	vm2 =	vlt.f32 v17, $0.0e+00;
	v14 =	vsub.f32 $7.500000000e-01, v14;
	v20 =	vadd.f32 $1.494307070e-01, v20  }
0xf3: {  	s2 =	sand.u32 $0x380, s30;
	s0 =	sor.u32 s31, s0  }
0xf4: {  	s26 =	sor.u32 s2, s0  }
0xf5: {  	v15 =	vld [tilespmem:s26+$0x2010]  }
0xf6: {  	v21 =	vld [tilespmem:s26+$0x2000];
	_ =	sdelay $0x1  }
0xf7: {  	v18 =	vadd.f32 $1.494307070e-01, v18;
	v10 =	vmul.f32 v19, v10  }
0xf8: {  	vm3 =	vgt.f32 v17, $0.0e+00;
	v62 =	vadd.f32 $1.000000000e+00, v13;
	vm12 =	vgt.f32 v11, $5.000000000e-01  }
0xf9: {  	v61 =	vmul.f32 v20, v13;
	v63 =	vnsel vm0, $0x0, v10;
	v10 =	vand.u32 $0x7FFFFFFF, v15  }
0xfa: {  	v23 =	vsel vm1, $0x3F800000, v0;
	v28 =	vand.u32 $0x7FFFFFFF, v21;
	v22 =	vsub.f32 $0.0e+00, v10  }
0xfb: {  	vm14 =	vge.f32 v4, $0.0e+00;
	v19 =	vadd.f32 $-2.351464780e-01, v61;
	v30 =	vsub.f32 $0.0e+00, v28  }
0xfc: {  	v25 =	vld [tilespmem:s25+$0x6010];
	v24 =	vsel vm12, $0x3F800000, v0;
	(erf) = vrcp.f32 v62;
	v22 =	vmul.f32 $1.442695020e+00, v22  }
0xfd: {  	v7 =	vadd.f32 v23, v7;
	v29 =	vmul.f32 v19, v13;
	v19 =	vmul.f32 $1.442695020e+00, v30  }
0xfe: {  	vm13 =	vmor vm3, vm2;
	v35 =	vsel vm14, $0x3F800000, v13;
	(erf) = vpow2.f32 v22  }
0xff: {  	v18 =	vmul.f32 v18, v12;
	v11 =	vadd.f32 $3.311199550e-01, v29;
	(erf) = vpow2.f32 v19  }
0x100: {  	v26 =	vld [tilespmem:s26+$0x6000];
	v2 =	vadd.f32 v24, v2;
	vm0 =	vmmov vm13;
	v1 =	vadd.f32 v63, v1  }
0x101: {  	v18 =	vadd.f32 $-2.351464780e-01, v18;
	v32 =	vadd.f32 v25, v25;
	v11 =	vmul.f32 v11, v13  }
0x102: {  	v36 =	vmul.f32 v25, v4;
	v4 =	vmax.f32 v4, $0.0e+00;
	v46 =	vmul.f32 $5.000000000e-01, v25  }
0x103: {  	v31 =	vpop (erf);
	v5 =	vadd.f32 v25, v5;
	vm12 =	vgt.f32 v25, $5.000000000e-01;
	v11 =	vadd.f32 $-4.998718500e-01, v11  }
0x104: {  	v18 =	vmul.f32 v18, v12;
	v16 =	vmul.f32 v31, v16;
	v63 =	vsel vm12, $0x3F800000, v0  }
0x105: {  	v53 =	vld [tilespmem:s26+$0x6010];
	v34 =	vadd.f32 v26, v26;
	v4 =	vsub.f32 v4, v36;
	v11 =	vmul.f32 v11, v13  }
0x106: {  	v41 =	vmax.f32 v21, $0.0e+00;
	v43 =	vmul.f32 v26, v21;
	vm15 =	vge.f32 v21, $0.0e+00;
	v33 =	vpop (erf)  }
0x107: {  	vm6 =	vlt.f32 v5, $0.0e+00;
	vm7 =	vgt.f32 v5, $0.0e+00;
	v11 =	vadd.f32 $9.999987480e-01, v11;
	v37 =	vpop (erf)  }
0x108: {  	vm8 =	vgt.f32 v26, $5.000000000e-01;
	vm11 =	vge.f32 v15, $0.0e+00;
	v39 =	vmul.f32 $1.420172770e-02, v37;
	v40 =	vpop (erf)  }
0x109: {  	v18 =	vadd.f32 $3.311199550e-01, v18;
	v11 =	vmul.f32 v11, v13;
	v42 =	vmul.f32 $1.420172770e-02, v40  }
0x10a: {  	v56 =	vadd.f32 v53, v53;
	v8 =	vmul.f32 v16, v8;
	v45 =	vadd.f32 $-6.658471380e-02, v39  }
0x10b: {  	v18 =	vmul.f32 v18, v12;
	v4 =	vadd.f32 v11, v4;
	v11 =	vadd.f32 $-6.658471380e-02, v42  }
0x10c: {  	v59 =	vmul.f32 v53, v15;
	v15 =	vmax.f32 v15, $0.0e+00;
	v47 =	vmul.f32 v45, v37  }
0x10d: {  	v3 =	vadd.f32 v8, v3;
	v18 =	vadd.f32 $-4.998718500e-01, v18;
	v11 =	vmul.f32 v11, v40  }
0x10e: {  	v62 =	vmul.f32 $5.000000000e-01, v53;
	v19 =	vsub.f32 $1.000000000e+00, v32;
	v8 =	vadd.f32 $1.494307070e-01, v47  }
0x10f: {  	v20 =	vmul.f32 v33, v35;
	v49 =	vadd.f32 $1.000000000e+00, v40;
	v11 =	vadd.f32 $1.494307070e-01, v11  }
0x110: {  	v18 =	vmul.f32 v18, v12;
	v50 =	vadd.f32 $1.000000000e+00, v37;
	v8 =	vmul.f32 v8, v37  }
0x111: {  	v54 =	vadd.f32 v26, v28;
	(erf) = vrcp.f32 v49;
	v11 =	vmul.f32 v11, v40  }
0x112: {  	v19 =	vmul.f32 v20, v19;
	(erf) = vrcp.f32 v50;
	v5 =	vadd.f32 $-2.351464780e-01, v8  }
0x113: {  	vm2 =	vmor vm7, vm6;
	v18 =	vadd.f32 $9.999987480e-01, v18;
	v51 =	vadd.f32 $-2.351464780e-01, v11  }
0x114: {  	v61 =	vsel vm8, $0x3F800000, v0;
	v38 =	vadd.f32 v19, v25;
	v5 =	vmul.f32 v5, v37  }
0x115: {  	v10 =	vadd.f32 v53, v10;
	v44 =	vmul.f32 v18, v12;
	v8 =	vmul.f32 v51, v40  }
0x116: {  	v48 =	vsub.f32 v41, v43;
	v16 =	vmul.f32 v38, v38;
	v5 =	vadd.f32 $3.311199550e-01, v5  }
0x117: {  	v3 =	vmul.f32 v3, v3;
	v9 =	vadd.f32 v44, v9;
	v8 =	vadd.f32 $3.311199550e-01, v8  }
0x118: {  	v19 =	vsub.f32 $7.500000000e-01, v46;
	v4 =	vmul.f32 v4, v16;
	v5 =	vmul.f32 v5, v37  }
0x119: {  	vm9 =	vlt.f32 v54, $0.0e+00;
	v3 =	vmul.f32 v9, v3;
	v8 =	vmul.f32 v8, v40  }
0x11a: {  	v57 =	vsel vm11, $0x3F800000, v37;
	v4 =	vmul.f32 v4, v19;
	v55 =	vpop (erf);
	v5 =	vadd.f32 $-4.998718500e-01, v5  }
0x11b: {  	v52 =	vsel vm15, $0x3F800000, v40;
	v3 =	vmul.f32 v3, v14;
	v58 =	vpop (erf);
	v8 =	vadd.f32 $-4.998718500e-01, v8  }
0x11c: {  	v14 =	vsub.f32 $1.000000000e+00, v56;
	v16 =	vmul.f32 v58, v57;
	v5 =	vmul.f32 v5, v37  }
0x11d: {  	v22 =	vsub.f32 $1.000000000e+00, v34;
	v9 =	vmul.f32 v55, v52;
	v8 =	vmul.f32 v8, v40  }
0x11e: {  	vm10 =	vgt.f32 v54, $0.0e+00;
	v14 =	vmul.f32 v16, v14;
	v5 =	vadd.f32 $9.999987480e-01, v5  }
0x11f: {  	v4 =	vnsel vm2, $0x0, v4;
	v9 =	vmul.f32 v9, v22;
	v8 =	vadd.f32 $9.999987480e-01, v8  }
0x120: {  	v11 =	vsub.f32 v15, v59;
	v60 =	vadd.f32 v14, v53;
	v5 =	vmul.f32 v5, v37  }
0x121: {  	v4 =	vadd.f32 v4, v6;
	v9 =	vadd.f32 v9, v26;
	v8 =	vmul.f32 v8, v40  }
0x122: {  	v6 =	vmul.f32 $5.000000000e-01, v26;
	v13 =	vmul.f32 v60, v60;
	v5 =	vadd.f32 v5, v11  }
0x123: {  	v3 =	vnsel vm0, $0x0, v3;
	v9 =	vmul.f32 v9, v9;
	v8 =	vadd.f32 v8, v48  }
0x124: {  	v1 =	vadd.f32 v3, v1;
	v11 =	vsub.f32 $7.500000000e-01, v62;
	v5 =	vmul.f32 v5, v13  }
0x125: {  	v3 =	vadd.f32 v61, v7;
	v6 =	vsub.f32 $7.500000000e-01, v6;
	v7 =	vmul.f32 v8, v9  }
0x126: {  	vm13 =	vlt.f32 v10, $0.0e+00;
	vm14 =	vgt.f32 v10, $0.0e+00;
	v5 =	vmul.f32 v5, v11  }
0x127: {  	vm1 =	vmor vm10, vm9;
	vm0 =	vmor vm14, vm13;
	v6 =	vmul.f32 v7, v6  }
0x128: {  	v2 =	vadd.f32 v63, v2;
	vm1 =	vmmov vm1;
	v5 =	vnsel vm0, $0x0, v5  }
.Ltmp4:
0x129: {  	vm15 =	vgt.f32 v53, $5.000000000e-01;
	v4 =	vadd.f32 v5, v4;
	v5 =	vnsel vm1, $0x0, v6;
	(pc) =	sbr.rel @p0 .LBB2_8-.Ltmp4, $4  }
0x12a: {  	v6 =	vsel vm15, $0x3F800000, v0;
	v1 =	vadd.f32 v5, v1  }
0x12b: {  	v2 =	vadd.f32 v6, v2  }
0x12c: {  	v1 =	vadd.f32 v4, v1  }
0x12d: {  	v5 =	vadd.f32 v2, v3  }
.Ltmp5:
0x12e: {  	s0 =	sadd.s32 s24, s11;
	(pc) =	sbr.rel .LBB2_2-.Ltmp5, $4  }
0x12f: {  	s2 =	sadd.s32 s1, s0  }
0x130: {  	[tilespmem:s15], [sflag:$0x2] =	stream.linear.gather [hbm4b:s2+s4], $0x2000, $0x38;
	[tilespmem:$0x8100] =	vst v63  }
0x131: {  	s23 =	sadd.s32 $0x1, s23;
	s0 =	sadd.s32 s3, s0  }
0x132: {  	[tilespmem:s16], [sflag:$0x2] =	stream.linear.gather [hbm4b:s0+s4], $0x2000, $0x38;
	[tilespmem:$0x8100] =	vst v63  }
.LBB2_9:
0x133: {  	_ =	sfence.sel $0x180000  }
0x134: {  	[bflag:$0x0] =	sbarrier.arrive $0xFFFF  }
0x135: {  	_ =	strace $0x90000047  }
0x136: {  	s0 =	stileid.u32;
	[bflag:$0x2] =	sbarrier.arrive $0xFFFF  }
0x137: {  	p0 =	sne.s32 s0, $0x0;
	s0 =	rddreg [dreg:$0x3]  }
0x138: {  	s0 =	sadd.s32 @!p0 $0x100000, s0  }
0x139: {  	[sflag:s0] =	ssyncadd.tile.s32 @!p0 $0x1;
	_ =	shalt  }
.Lfunc_end2:
_tile_overlayer_lowered:
.L_overlay_start_2:
0x13a: {  	(tag) =	ssettag $0x2  }
0x13b: {  	s0 =	rddreg [dreg:$0x0];
	s2 =	stileid.u32  }
0x13c: {  	s1 =	rddreg [dreg:$0x1];
	p0 =	sne.s32 s2, $0x0  }
0x13d: {  	s3 =	rddreg [dreg:$0x2];
	[bflag:$0x3] =	sbarrier.arrive $0xFFFF;
	s2 =	simm.s32 @!p0 $0x1C03  }
0x13e: {  	[timem:s3], [sflag:s2] =	dma.local @!p0 [hbm:s0], s1  }
0x13f: {  	s0 =	simm.s32 @!p0 $0x3  }
0x140: {  	_ =	swait.ge @!p0 [sflag:s0], s1  }
0x141: {  	s1 =	ssub.s32 @!p0 $0x0, s1;
	[sflag:s0] =	ssyncset.done @!p0 $0x0  }
0x142: {  	[sflag:s0] =	ssyncadd.s32 @!p0 s1  }
0x143: {  	[bflag:$0x3] =	sbarrier.arrive $0xFFFF  }
0x144: {  	_ =	shalt  }

</sc_bundles>
